<compile_context>
chip_gen: v7x
topology: tpu7x:2x2x1
jax: 0.10.2.dev20260603
libtpu: 0.0.44.dev20260713+nightly
codegen_flags: <defaults>
</compile_context>

<pallas_src>
import functools

import jax
import jax.numpy as jnp
from jax import lax
from jax.experimental import pallas as pl
from jax.experimental.pallas import tpu as pltpu
from jax.experimental.pallas import tpu_sc as plsc

N_SRC = 5000
N_OUT = 10000
D = 512
NW = 32
REG = 312
REG_LAST = N_OUT - (NW - 1) * REG
CH = 24
NCH = REG // CH
TAIL = REG_LAST - REG
IDX_PAD = 8208
SENTINEL = 1 << 20
NPAD = 512
SRC_LEN = 336


def _unpool_body(x_hbm, idx_hbm, out_hbm, idx_v, src_v, rows_a, rows_b,
                 rows_t, sem_a, sem_b, sem_t):
    cid = lax.axis_index("c")
    sid = lax.axis_index("s")
    wid = sid * 2 + cid
    r0 = pl.multiple_of(wid * REG, 8)
    is_last = wid == NW - 1
    reg = jnp.where(is_last, REG_LAST, REG)

    with jax.named_scope("stage_idx"):
        pltpu.sync_copy(idx_hbm, idx_v)

    lanes0 = lax.iota(jnp.int32, 16)
    for j in range(SRC_LEN // 16):
        zfill = N_SRC + ((wid * 16 + j * 16 + lanes0) & (NPAD - 1))
        src_v[pl.ds(j * 16, 16)] = zfill

    def lower_bound(target):
        lo = jnp.int32(0)
        for s in (4096, 2048, 1024, 512, 256, 128, 64, 32, 16, 8, 4, 2, 1):
            v = idx_v[pl.ds(lo + s - 1, 16)][0]
            lo = jnp.where(v < target, lo + s, lo)
        return lo

    e_lo = lower_bound(r0)
    e_hi = lower_bound(r0 + reg)

    lanes = lax.iota(jnp.int32, 16)

    def scan_step(k, carry):
        off = k * 16
        a = idx_v[pl.ds(off, 16)]
        b = idx_v[pl.ds(off + 1, 16)]
        m = (a != b) & (a >= r0) & (a < r0 + reg)
        plsc.store_scatter(src_v, [a - r0], lanes + off, mask=m)
        return carry

    with jax.named_scope("scan"):
        lax.fori_loop(e_lo // 16, (e_hi + 15) // 16, scan_step, 0)

    def gather(c, buf, sem):
        return pltpu.make_async_copy(
            x_hbm.at[src_v.at[pl.ds(c * CH, CH)]], buf, sem)

    with jax.named_scope("pull"):
        bufs = (rows_a, rows_b)
        sems = (sem_a, sem_b)
        gather(0, rows_a, sem_a).start()

        @pl.when(is_last)
        def _tail_start():
            pltpu.make_async_copy(
                x_hbm.at[src_v.at[pl.ds(NCH * CH, TAIL)]], rows_t, sem_t,
            ).start()

        for c in range(NCH):
            cur = c % 2
            if c + 1 < NCH:
                gather(c + 1, bufs[1 - cur], sems[1 - cur]).start()
            gather(c, bufs[cur], sems[cur]).wait()
            pltpu.sync_copy(bufs[cur], out_hbm.at[pl.ds(r0 + c * CH, CH)])

        @pl.when(is_last)
        def _tail_drain():
            pltpu.make_async_copy(
                x_hbm.at[src_v.at[pl.ds(NCH * CH, TAIL)]], rows_t, sem_t,
            ).wait()
            pltpu.sync_copy(rows_t, out_hbm.at[pl.ds(r0 + NCH * CH, TAIL)])


_unpool = functools.partial(
    pl.kernel,
    out_type=jax.ShapeDtypeStruct((N_OUT, D), jnp.float32),
    mesh=plsc.VectorSubcoreMesh(core_axis_name="c", subcore_axis_name="s"),
    compiler_params=pltpu.CompilerParams(needs_layout_passes=False),
    scratch_types=[
        pltpu.VMEM((IDX_PAD,), jnp.int32),
        pltpu.VMEM((SRC_LEN,), jnp.int32),
        pltpu.VMEM((CH, D), jnp.float32),
        pltpu.VMEM((CH, D), jnp.float32),
        pltpu.VMEM((TAIL, D), jnp.float32),
        pltpu.SemaphoreType.DMA,
        pltpu.SemaphoreType.DMA,
        pltpu.SemaphoreType.DMA,
    ],
)(_unpool_body)


UPN = 10000
UPB = 200


def _copy_body(a_ref, o_ref):
    o_ref[...] = a_ref[...]


_up_copy = pl.pallas_call(
    _copy_body,
    out_shape=jax.ShapeDtypeStruct((UPN, UPN), jnp.float32),
    grid=(UPN // UPB,),
    in_specs=[pl.BlockSpec((UPB, UPN), lambda i: (i, 0))],
    out_specs=pl.BlockSpec((UPB, UPN), lambda i: (i, 0)),
)


def kernel(x, A, up_A, idx):
    x_pad = jnp.concatenate([x, jnp.zeros((NPAD, D), x.dtype)], axis=0)
    idx_pad = jnp.concatenate([
        idx.astype(jnp.int32),
        jnp.full((IDX_PAD - N_SRC,), SENTINEL, jnp.int32),
    ])
    new_x = _unpool(x_pad, idx_pad)
    return (new_x, _up_copy(up_A))

# --- scband reference (transcript-rebuilt; emitter-appended) ---
"""Pipeline reference for scband-g-unpool-88364657147966 (READ-ONLY COPY).

The authoritative reference and input builder live on the scoring server;
editing this copy changes nothing except your own understanding.
"""

import jax, jax.numpy as jnp
import numpy as np


def setup_inputs(seed: int = 0) -> dict:
    key = jax.random.key(seed)
    k1, k2, k3, k4 = jax.random.split(key, 4)
    x = jax.random.normal(k1, (5000, 512), dtype=jnp.float32)
    A = jax.random.normal(k2, (5000, 5000), dtype=jnp.float32)
    up_A = jax.random.normal(k3, (10000, 10000), dtype=jnp.float32)
    idx = jnp.sort(jax.random.randint(k4, (5000,), 0, 10000, dtype=jnp.int64))
    return {"x": x, "A": A, "up_A": up_A, "idx": idx}


def reference(x, A, up_A, idx):
    # gUnpool.forward: data=(x, A); new_x = zeros(up_A.shape[0], x.shape[1]); new_x[idx] = x
    new_x = jnp.zeros((up_A.shape[0], x.shape[1]), dtype=x.dtype).at[idx].set(x)
    return (new_x, up_A)

if __name__ == "__main__":
    import jax
    _d = setup_inputs()
    print(jax.jit(kernel)(*tuple(_d.values())))

</pallas_src>

<mosaic_0001>
#map = affine_map<(d0, d1) -> (0, 0)>
#map1 = affine_map<(d0, d1) -> (0)>
module attributes {stable_mosaic.version = 14 : i64} {
  func.func @_unpool_body(%arg0: i32, %arg1: i32, %arg2: memref<5512x512xf32, #tpu.memory_space<hbm>>, %arg3: memref<8208xi32, #tpu.memory_space<hbm>>, %arg4: memref<10000x512xf32, #tpu.memory_space<hbm>>, %arg5: memref<8208xi32, #tpu.memory_space<vmem>>, %arg6: memref<336xi32, #tpu.memory_space<vmem>>, %arg7: memref<24x512xf32, #tpu.memory_space<vmem>>, %arg8: memref<24x512xf32, #tpu.memory_space<vmem>>, %arg9: memref<16x512xf32, #tpu.memory_space<vmem>>, %arg10: memref<!tpu.dma_semaphore, #tpu.memory_space<semaphore_mem>>, %arg11: memref<!tpu.dma_semaphore, #tpu.memory_space<semaphore_mem>>, %arg12: memref<!tpu.dma_semaphore, #tpu.memory_space<semaphore_mem>>) attributes {dimension_semantics = [#tpu.dimension_semantics<core_parallel>, #tpu.dimension_semantics<subcore_parallel>], iteration_bounds = array<i64: 2, 16>, scalar_prefetch = 0 : i64, scratch_operands = 8 : i64, tpu.core_type = #tpu.core_type<sc_vector_subcore>, window_params = [{transform_indices = #map}, {transform_indices = #map1}, {transform_indices = #map}]} {
    %mul3A = arith.constant 2 : i32
    %mul3A_0 = arith.muli %arg1, %mul3A : i32
    %add3A = arith.addi %mul3A_0, %arg0 : i32
    %mul3A_1 = arith.constant 312 : i32
    %mul3A_2 = arith.muli %add3A, %mul3A_1 : i32
    %multiple_of3A = tpu.assume_multiple %mul3A_2, 8 : i32
    %eq3A = arith.constant 31 : i32
    %eq3A_3 = arith.cmpi eq, %add3A, %eq3A : i32
    %jit3A = arith.constant 328 : i32
    %jit3A_4 = arith.constant 312 : i32
    %select_n3A = arith.select %eq3A_3, %jit3A, %jit3A_4 : i32
    "tpu.trace_start"() <{level = 10 : i32, message = "stage_idx"}> : () -> ()
    "tpu.region"() ({
      %run_scoped3A = tpu.sem_alloc : memref<!tpu.dma_semaphore, #tpu.memory_space<semaphore_mem>>
      tpu.enqueue_dma source(%arg3 : memref<8208xi32, #tpu.memory_space<hbm>>) target(%arg5 : memref<8208xi32, #tpu.memory_space<vmem>>) target_semaphore(%run_scoped3A : memref<!tpu.dma_semaphore, #tpu.memory_space<semaphore_mem>>)
      tpu.wait_dma2 semaphore(%run_scoped3A : memref<!tpu.dma_semaphore, #tpu.memory_space<semaphore_mem>>) src(%arg3 : memref<8208xi32, #tpu.memory_space<hbm>>) dst(%arg5 : memref<8208xi32, #tpu.memory_space<vmem>>)
      tpu.yield
    }) : () -> ()
    "tpu.trace_stop"() : () -> ()
    %iota3A = tpu.iota {dimensions = array<i32: 0>} : vector<16xi32>
    %mul3A_5 = arith.constant 16 : i32
    %mul3A_6 = arith.muli %add3A, %mul3A_5 : i32
    %add3A_7 = arith.constant 0 : i32
    %add3A_8 = arith.addi %mul3A_6, %add3A_7 : i32
    %add3A_9 = vector.broadcast %add3A_8 : i32 to vector<16xi32>
    %add3A_10 = arith.addi %add3A_9, %iota3A : vector<16xi32>
    %and3A = arith.constant 511 : i32
    %and3A_11 = vector.broadcast %and3A : i32 to vector<16xi32>
    %and3A_12 = arith.andi %add3A_10, %and3A_11 : vector<16xi32>
    %add3A_13 = arith.constant 5000 : i32
    %add3A_14 = vector.broadcast %add3A_13 : i32 to vector<16xi32>
    %add3A_15 = arith.addi %add3A_14, %and3A_12 : vector<16xi32>
    %swap3A = arith.constant 0 : index
    %swap3A_16 = tpu.vector_load %arg6[%swap3A] {strides = array<i32>} : memref<336xi32, #tpu.memory_space<vmem>>, vector<16xi32>,
    tpu.vector_store %arg6[%swap3A], %add3A_15 {strides = array<i32>} : memref<336xi32, #tpu.memory_space<vmem>>, vector<16xi32>,
    %mul3A_17 = arith.constant 16 : i32
    %mul3A_18 = arith.muli %add3A, %mul3A_17 : i32
    %add3A_19 = arith.constant 16 : i32
    %add3A_20 = arith.addi %mul3A_18, %add3A_19 : i32
    %add3A_21 = vector.broadcast %add3A_20 : i32 to vector<16xi32>
    %add3A_22 = arith.addi %add3A_21, %iota3A : vector<16xi32>
    %and3A_23 = arith.constant 511 : i32
    %and3A_24 = vector.broadcast %and3A_23 : i32 to vector<16xi32>
    %and3A_25 = arith.andi %add3A_22, %and3A_24 : vector<16xi32>
    %add3A_26 = arith.constant 5000 : i32
    %add3A_27 = vector.broadcast %add3A_26 : i32 to vector<16xi32>
    %add3A_28 = arith.addi %add3A_27, %and3A_25 : vector<16xi32>
    %swap3A_29 = arith.constant 16 : index
    %swap3A_30 = tpu.vector_load %arg6[%swap3A_29] {strides = array<i32>} : memref<336xi32, #tpu.memory_space<vmem>>, vector<16xi32>,
    tpu.vector_store %arg6[%swap3A_29], %add3A_28 {strides = array<i32>} : memref<336xi32, #tpu.memory_space<vmem>>, vector<16xi32>,
    %mul3A_31 = arith.constant 16 : i32
    %mul3A_32 = arith.muli %add3A, %mul3A_31 : i32
    %add3A_33 = arith.constant 32 : i32
    %add3A_34 = arith.addi %mul3A_32, %add3A_33 : i32
    %add3A_35 = vector.broadcast %add3A_34 : i32 to vector<16xi32>
    %add3A_36 = arith.addi %add3A_35, %iota3A : vector<16xi32>
    %and3A_37 = arith.constant 511 : i32
    %and3A_38 = vector.broadcast %and3A_37 : i32 to vector<16xi32>
    %and3A_39 = arith.andi %add3A_36, %and3A_38 : vector<16xi32>
    %add3A_40 = arith.constant 5000 : i32
    %add3A_41 = vector.broadcast %add3A_40 : i32 to vector<16xi32>
    %add3A_42 = arith.addi %add3A_41, %and3A_39 : vector<16xi32>
    %swap3A_43 = arith.constant 32 : index
    %swap3A_44 = tpu.vector_load %arg6[%swap3A_43] {strides = array<i32>} : memref<336xi32, #tpu.memory_space<vmem>>, vector<16xi32>,
    tpu.vector_store %arg6[%swap3A_43], %add3A_42 {strides = array<i32>} : memref<336xi32, #tpu.memory_space<vmem>>, vector<16xi32>,
    %mul3A_45 = arith.constant 16 : i32
    %mul3A_46 = arith.muli %add3A, %mul3A_45 : i32
    %add3A_47 = arith.constant 48 : i32
    %add3A_48 = arith.addi %mul3A_46, %add3A_47 : i32
    %add3A_49 = vector.broadcast %add3A_48 : i32 to vector<16xi32>
    %add3A_50 = arith.addi %add3A_49, %iota3A : vector<16xi32>
    %and3A_51 = arith.constant 511 : i32
    %and3A_52 = vector.broadcast %and3A_51 : i32 to vector<16xi32>
    %and3A_53 = arith.andi %add3A_50, %and3A_52 : vector<16xi32>
    %add3A_54 = arith.constant 5000 : i32
    %add3A_55 = vector.broadcast %add3A_54 : i32 to vector<16xi32>
    %add3A_56 = arith.addi %add3A_55, %and3A_53 : vector<16xi32>
    %swap3A_57 = arith.constant 48 : index
    %swap3A_58 = tpu.vector_load %arg6[%swap3A_57] {strides = array<i32>} : memref<336xi32, #tpu.memory_space<vmem>>, vector<16xi32>,
    tpu.vector_store %arg6[%swap3A_57], %add3A_56 {strides = array<i32>} : memref<336xi32, #tpu.memory_space<vmem>>, vector<16xi32>,
    %mul3A_59 = arith.constant 16 : i32
    %mul3A_60 = arith.muli %add3A, %mul3A_59 : i32
    %add3A_61 = arith.constant 64 : i32
    %add3A_62 = arith.addi %mul3A_60, %add3A_61 : i32
    %add3A_63 = vector.broadcast %add3A_62 : i32 to vector<16xi32>
    %add3A_64 = arith.addi %add3A_63, %iota3A : vector<16xi32>
    %and3A_65 = arith.constant 511 : i32
    %and3A_66 = vector.broadcast %and3A_65 : i32 to vector<16xi32>
    %and3A_67 = arith.andi %add3A_64, %and3A_66 : vector<16xi32>
    %add3A_68 = arith.constant 5000 : i32
    %add3A_69 = vector.broadcast %add3A_68 : i32 to vector<16xi32>
    %add3A_70 = arith.addi %add3A_69, %and3A_67 : vector<16xi32>
    %swap3A_71 = arith.constant 64 : index
    %swap3A_72 = tpu.vector_load %arg6[%swap3A_71] {strides = array<i32>} : memref<336xi32, #tpu.memory_space<vmem>>, vector<16xi32>,
    tpu.vector_store %arg6[%swap3A_71], %add3A_70 {strides = array<i32>} : memref<336xi32, #tpu.memory_space<vmem>>, vector<16xi32>,
    %mul3A_73 = arith.constant 16 : i32
    %mul3A_74 = arith.muli %add3A, %mul3A_73 : i32
    %add3A_75 = arith.constant 80 : i32
    %add3A_76 = arith.addi %mul3A_74, %add3A_75 : i32
    %add3A_77 = vector.broadcast %add3A_76 : i32 to vector<16xi32>
    %add3A_78 = arith.addi %add3A_77, %iota3A : vector<16xi32>
    %and3A_79 = arith.constant 511 : i32
    %and3A_80 = vector.broadcast %and3A_79 : i32 to vector<16xi32>
    %and3A_81 = arith.andi %add3A_78, %and3A_80 : vector<16xi32>
    %add3A_82 = arith.constant 5000 : i32
    %add3A_83 = vector.broadcast %add3A_82 : i32 to vector<16xi32>
    %add3A_84 = arith.addi %add3A_83, %and3A_81 : vector<16xi32>
    %swap3A_85 = arith.constant 80 : index
    %swap3A_86 = tpu.vector_load %arg6[%swap3A_85] {strides = array<i32>} : memref<336xi32, #tpu.memory_space<vmem>>, vector<16xi32>,
    tpu.vector_store %arg6[%swap3A_85], %add3A_84 {strides = array<i32>} : memref<336xi32, #tpu.memory_space<vmem>>, vector<16xi32>,
    %mul3A_87 = arith.constant 16 : i32
    %mul3A_88 = arith.muli %add3A, %mul3A_87 : i32
    %add3A_89 = arith.constant 96 : i32
    %add3A_90 = arith.addi %mul3A_88, %add3A_89 : i32
    %add3A_91 = vector.broadcast %add3A_90 : i32 to vector<16xi32>
    %add3A_92 = arith.addi %add3A_91, %iota3A : vector<16xi32>
    %and3A_93 = arith.constant 511 : i32
    %and3A_94 = vector.broadcast %and3A_93 : i32 to vector<16xi32>
    %and3A_95 = arith.andi %add3A_92, %and3A_94 : vector<16xi32>
    %add3A_96 = arith.constant 5000 : i32
    %add3A_97 = vector.broadcast %add3A_96 : i32 to vector<16xi32>
    %add3A_98 = arith.addi %add3A_97, %and3A_95 : vector<16xi32>
    %swap3A_99 = arith.constant 96 : index
    %swap3A_100 = tpu.vector_load %arg6[%swap3A_99] {strides = array<i32>} : memref<336xi32, #tpu.memory_space<vmem>>, vector<16xi32>,
    tpu.vector_store %arg6[%swap3A_99], %add3A_98 {strides = array<i32>} : memref<336xi32, #tpu.memory_space<vmem>>, vector<16xi32>,
    %mul3A_101 = arith.constant 16 : i32
    %mul3A_102 = arith.muli %add3A, %mul3A_101 : i32
    %add3A_103 = arith.constant 112 : i32
    %add3A_104 = arith.addi %mul3A_102, %add3A_103 : i32
    %add3A_105 = vector.broadcast %add3A_104 : i32 to vector<16xi32>
    %add3A_106 = arith.addi %add3A_105, %iota3A : vector<16xi32>
    %and3A_107 = arith.constant 511 : i32
    %and3A_108 = vector.broadcast %and3A_107 : i32 to vector<16xi32>
    %and3A_109 = arith.andi %add3A_106, %and3A_108 : vector<16xi32>
    %add3A_110 = arith.constant 5000 : i32
    %add3A_111 = vector.broadcast %add3A_110 : i32 to vector<16xi32>
    %add3A_112 = arith.addi %add3A_111, %and3A_109 : vector<16xi32>
    %swap3A_113 = arith.constant 112 : index
    %swap3A_114 = tpu.vector_load %arg6[%swap3A_113] {strides = array<i32>} : memref<336xi32, #tpu.memory_space<vmem>>, vector<16xi32>,
    tpu.vector_store %arg6[%swap3A_113], %add3A_112 {strides = array<i32>} : memref<336xi32, #tpu.memory_space<vmem>>, vector<16xi32>,
    %mul3A_115 = arith.constant 16 : i32
    %mul3A_116 = arith.muli %add3A, %mul3A_115 : i32
    %add3A_117 = arith.constant 128 : i32
    %add3A_118 = arith.addi %mul3A_116, %add3A_117 : i32
    %add3A_119 = vector.broadcast %add3A_118 : i32 to vector<16xi32>
    %add3A_120 = arith.addi %add3A_119, %iota3A : vector<16xi32>
    %and3A_121 = arith.constant 511 : i32
    %and3A_122 = vector.broadcast %and3A_121 : i32 to vector<16xi32>
    %and3A_123 = arith.andi %add3A_120, %and3A_122 : vector<16xi32>
    %add3A_124 = arith.constant 5000 : i32
    %add3A_125 = vector.broadcast %add3A_124 : i32 to vector<16xi32>
    %add3A_126 = arith.addi %add3A_125, %and3A_123 : vector<16xi32>
    %swap3A_127 = arith.constant 128 : index
    %swap3A_128 = tpu.vector_load %arg6[%swap3A_127] {strides = array<i32>} : memref<336xi32, #tpu.memory_space<vmem>>, vector<16xi32>,
    tpu.vector_store %arg6[%swap3A_127], %add3A_126 {strides = array<i32>} : memref<336xi32, #tpu.memory_space<vmem>>, vector<16xi32>,
    %mul3A_129 = arith.constant 16 : i32
    %mul3A_130 = arith.muli %add3A, %mul3A_129 : i32
    %add3A_131 = arith.constant 144 : i32
    %add3A_132 = arith.addi %mul3A_130, %add3A_131 : i32
    %add3A_133 = vector.broadcast %add3A_132 : i32 to vector<16xi32>
    %add3A_134 = arith.addi %add3A_133, %iota3A : vector<16xi32>
    %and3A_135 = arith.constant 511 : i32
    %and3A_136 = vector.broadcast %and3A_135 : i32 to vector<16xi32>
    %and3A_137 = arith.andi %add3A_134, %and3A_136 : vector<16xi32>
    %add3A_138 = arith.constant 5000 : i32
    %add3A_139 = vector.broadcast %add3A_138 : i32 to vector<16xi32>
    %add3A_140 = arith.addi %add3A_139, %and3A_137 : vector<16xi32>
    %swap3A_141 = arith.constant 144 : index
    %swap3A_142 = tpu.vector_load %arg6[%swap3A_141] {strides = array<i32>} : memref<336xi32, #tpu.memory_space<vmem>>, vector<16xi32>,
    tpu.vector_store %arg6[%swap3A_141], %add3A_140 {strides = array<i32>} : memref<336xi32, #tpu.memory_space<vmem>>, vector<16xi32>,
    %mul3A_143 = arith.constant 16 : i32
    %mul3A_144 = arith.muli %add3A, %mul3A_143 : i32
    %add3A_145 = arith.constant 160 : i32
    %add3A_146 = arith.addi %mul3A_144, %add3A_145 : i32
    %add3A_147 = vector.broadcast %add3A_146 : i32 to vector<16xi32>
    %add3A_148 = arith.addi %add3A_147, %iota3A : vector<16xi32>
    %and3A_149 = arith.constant 511 : i32
    %and3A_150 = vector.broadcast %and3A_149 : i32 to vector<16xi32>
    %and3A_151 = arith.andi %add3A_148, %and3A_150 : vector<16xi32>
    %add3A_152 = arith.constant 5000 : i32
    %add3A_153 = vector.broadcast %add3A_152 : i32 to vector<16xi32>
    %add3A_154 = arith.addi %add3A_153, %and3A_151 : vector<16xi32>
    %swap3A_155 = arith.constant 160 : index
    %swap3A_156 = tpu.vector_load %arg6[%swap3A_155] {strides = array<i32>} : memref<336xi32, #tpu.memory_space<vmem>>, vector<16xi32>,
    tpu.vector_store %arg6[%swap3A_155], %add3A_154 {strides = array<i32>} : memref<336xi32, #tpu.memory_space<vmem>>, vector<16xi32>,
    %mul3A_157 = arith.constant 16 : i32
    %mul3A_158 = arith.muli %add3A, %mul3A_157 : i32
    %add3A_159 = arith.constant 176 : i32
    %add3A_160 = arith.addi %mul3A_158, %add3A_159 : i32
    %add3A_161 = vector.broadcast %add3A_160 : i32 to vector<16xi32>
    %add3A_162 = arith.addi %add3A_161, %iota3A : vector<16xi32>
    %and3A_163 = arith.constant 511 : i32
    %and3A_164 = vector.broadcast %and3A_163 : i32 to vector<16xi32>
    %and3A_165 = arith.andi %add3A_162, %and3A_164 : vector<16xi32>
    %add3A_166 = arith.constant 5000 : i32
    %add3A_167 = vector.broadcast %add3A_166 : i32 to vector<16xi32>
    %add3A_168 = arith.addi %add3A_167, %and3A_165 : vector<16xi32>
    %swap3A_169 = arith.constant 176 : index
    %swap3A_170 = tpu.vector_load %arg6[%swap3A_169] {strides = array<i32>} : memref<336xi32, #tpu.memory_space<vmem>>, vector<16xi32>,
    tpu.vector_store %arg6[%swap3A_169], %add3A_168 {strides = array<i32>} : memref<336xi32, #tpu.memory_space<vmem>>, vector<16xi32>,
    %mul3A_171 = arith.constant 16 : i32
    %mul3A_172 = arith.muli %add3A, %mul3A_171 : i32
    %add3A_173 = arith.constant 192 : i32
    %add3A_174 = arith.addi %mul3A_172, %add3A_173 : i32
    %add3A_175 = vector.broadcast %add3A_174 : i32 to vector<16xi32>
    %add3A_176 = arith.addi %add3A_175, %iota3A : vector<16xi32>
    %and3A_177 = arith.constant 511 : i32
    %and3A_178 = vector.broadcast %and3A_177 : i32 to vector<16xi32>
    %and3A_179 = arith.andi %add3A_176, %and3A_178 : vector<16xi32>
    %add3A_180 = arith.constant 5000 : i32
    %add3A_181 = vector.broadcast %add3A_180 : i32 to vector<16xi32>
    %add3A_182 = arith.addi %add3A_181, %and3A_179 : vector<16xi32>
    %swap3A_183 = arith.constant 192 : index
    %swap3A_184 = tpu.vector_load %arg6[%swap3A_183] {strides = array<i32>} : memref<336xi32, #tpu.memory_space<vmem>>, vector<16xi32>,
    tpu.vector_store %arg6[%swap3A_183], %add3A_182 {strides = array<i32>} : memref<336xi32, #tpu.memory_space<vmem>>, vector<16xi32>,
    %mul3A_185 = arith.constant 16 : i32
    %mul3A_186 = arith.muli %add3A, %mul3A_185 : i32
    %add3A_187 = arith.constant 208 : i32
    %add3A_188 = arith.addi %mul3A_186, %add3A_187 : i32
    %add3A_189 = vector.broadcast %add3A_188 : i32 to vector<16xi32>
    %add3A_190 = arith.addi %add3A_189, %iota3A : vector<16xi32>
    %and3A_191 = arith.constant 511 : i32
    %and3A_192 = vector.broadcast %and3A_191 : i32 to vector<16xi32>
    %and3A_193 = arith.andi %add3A_190, %and3A_192 : vector<16xi32>
    %add3A_194 = arith.constant 5000 : i32
    %add3A_195 = vector.broadcast %add3A_194 : i32 to vector<16xi32>
    %add3A_196 = arith.addi %add3A_195, %and3A_193 : vector<16xi32>
    %swap3A_197 = arith.constant 208 : index
    %swap3A_198 = tpu.vector_load %arg6[%swap3A_197] {strides = array<i32>} : memref<336xi32, #tpu.memory_space<vmem>>, vector<16xi32>,
    tpu.vector_store %arg6[%swap3A_197], %add3A_196 {strides = array<i32>} : memref<336xi32, #tpu.memory_space<vmem>>, vector<16xi32>,
    %mul3A_199 = arith.constant 16 : i32
    %mul3A_200 = arith.muli %add3A, %mul3A_199 : i32
    %add3A_201 = arith.constant 224 : i32
    %add3A_202 = arith.addi %mul3A_200, %add3A_201 : i32
    %add3A_203 = vector.broadcast %add3A_202 : i32 to vector<16xi32>
    %add3A_204 = arith.addi %add3A_203, %iota3A : vector<16xi32>
    %and3A_205 = arith.constant 511 : i32
    %and3A_206 = vector.broadcast %and3A_205 : i32 to vector<16xi32>
    %and3A_207 = arith.andi %add3A_204, %and3A_206 : vector<16xi32>
    %add3A_208 = arith.constant 5000 : i32
    %add3A_209 = vector.broadcast %add3A_208 : i32 to vector<16xi32>
    %add3A_210 = arith.addi %add3A_209, %and3A_207 : vector<16xi32>
    %swap3A_211 = arith.constant 224 : index
    %swap3A_212 = tpu.vector_load %arg6[%swap3A_211] {strides = array<i32>} : memref<336xi32, #tpu.memory_space<vmem>>, vector<16xi32>,
    tpu.vector_store %arg6[%swap3A_211], %add3A_210 {strides = array<i32>} : memref<336xi32, #tpu.memory_space<vmem>>, vector<16xi32>,
    %mul3A_213 = arith.constant 16 : i32
    %mul3A_214 = arith.muli %add3A, %mul3A_213 : i32
    %add3A_215 = arith.constant 240 : i32
    %add3A_216 = arith.addi %mul3A_214, %add3A_215 : i32
    %add3A_217 = vector.broadcast %add3A_216 : i32 to vector<16xi32>
    %add3A_218 = arith.addi %add3A_217, %iota3A : vector<16xi32>
    %and3A_219 = arith.constant 511 : i32
    %and3A_220 = vector.broadcast %and3A_219 : i32 to vector<16xi32>
    %and3A_221 = arith.andi %add3A_218, %and3A_220 : vector<16xi32>
    %add3A_222 = arith.constant 5000 : i32
    %add3A_223 = vector.broadcast %add3A_222 : i32 to vector<16xi32>
    %add3A_224 = arith.addi %add3A_223, %and3A_221 : vector<16xi32>
    %swap3A_225 = arith.constant 240 : index
    %swap3A_226 = tpu.vector_load %arg6[%swap3A_225] {strides = array<i32>} : memref<336xi32, #tpu.memory_space<vmem>>, vector<16xi32>,
    tpu.vector_store %arg6[%swap3A_225], %add3A_224 {strides = array<i32>} : memref<336xi32, #tpu.memory_space<vmem>>, vector<16xi32>,
    %mul3A_227 = arith.constant 16 : i32
    %mul3A_228 = arith.muli %add3A, %mul3A_227 : i32
    %add3A_229 = arith.constant 256 : i32
    %add3A_230 = arith.addi %mul3A_228, %add3A_229 : i32
    %add3A_231 = vector.broadcast %add3A_230 : i32 to vector<16xi32>
    %add3A_232 = arith.addi %add3A_231, %iota3A : vector<16xi32>
    %and3A_233 = arith.constant 511 : i32
    %and3A_234 = vector.broadcast %and3A_233 : i32 to vector<16xi32>
    %and3A_235 = arith.andi %add3A_232, %and3A_234 : vector<16xi32>
    %add3A_236 = arith.constant 5000 : i32
    %add3A_237 = vector.broadcast %add3A_236 : i32 to vector<16xi32>
    %add3A_238 = arith.addi %add3A_237, %and3A_235 : vector<16xi32>
    %swap3A_239 = arith.constant 256 : index
    %swap3A_240 = tpu.vector_load %arg6[%swap3A_239] {strides = array<i32>} : memref<336xi32, #tpu.memory_space<vmem>>, vector<16xi32>,
    tpu.vector_store %arg6[%swap3A_239], %add3A_238 {strides = array<i32>} : memref<336xi32, #tpu.memory_space<vmem>>, vector<16xi32>,
    %mul3A_241 = arith.constant 16 : i32
    %mul3A_242 = arith.muli %add3A, %mul3A_241 : i32
    %add3A_243 = arith.constant 272 : i32
    %add3A_244 = arith.addi %mul3A_242, %add3A_243 : i32
    %add3A_245 = vector.broadcast %add3A_244 : i32 to vector<16xi32>
    %add3A_246 = arith.addi %add3A_245, %iota3A : vector<16xi32>
    %and3A_247 = arith.constant 511 : i32
    %and3A_248 = vector.broadcast %and3A_247 : i32 to vector<16xi32>
    %and3A_249 = arith.andi %add3A_246, %and3A_248 : vector<16xi32>
    %add3A_250 = arith.constant 5000 : i32
    %add3A_251 = vector.broadcast %add3A_250 : i32 to vector<16xi32>
    %add3A_252 = arith.addi %add3A_251, %and3A_249 : vector<16xi32>
    %swap3A_253 = arith.constant 272 : index
    %swap3A_254 = tpu.vector_load %arg6[%swap3A_253] {strides = array<i32>} : memref<336xi32, #tpu.memory_space<vmem>>, vector<16xi32>,
    tpu.vector_store %arg6[%swap3A_253], %add3A_252 {strides = array<i32>} : memref<336xi32, #tpu.memory_space<vmem>>, vector<16xi32>,
    %mul3A_255 = arith.constant 16 : i32
    %mul3A_256 = arith.muli %add3A, %mul3A_255 : i32
    %add3A_257 = arith.constant 288 : i32
    %add3A_258 = arith.addi %mul3A_256, %add3A_257 : i32
    %add3A_259 = vector.broadcast %add3A_258 : i32 to vector<16xi32>
    %add3A_260 = arith.addi %add3A_259, %iota3A : vector<16xi32>
    %and3A_261 = arith.constant 511 : i32
    %and3A_262 = vector.broadcast %and3A_261 : i32 to vector<16xi32>
    %and3A_263 = arith.andi %add3A_260, %and3A_262 : vector<16xi32>
    %add3A_264 = arith.constant 5000 : i32
    %add3A_265 = vector.broadcast %add3A_264 : i32 to vector<16xi32>
    %add3A_266 = arith.addi %add3A_265, %and3A_263 : vector<16xi32>
    %swap3A_267 = arith.constant 288 : index
    %swap3A_268 = tpu.vector_load %arg6[%swap3A_267] {strides = array<i32>} : memref<336xi32, #tpu.memory_space<vmem>>, vector<16xi32>,
    tpu.vector_store %arg6[%swap3A_267], %add3A_266 {strides = array<i32>} : memref<336xi32, #tpu.memory_space<vmem>>, vector<16xi32>,
    %mul3A_269 = arith.constant 16 : i32
    %mul3A_270 = arith.muli %add3A, %mul3A_269 : i32
    %add3A_271 = arith.constant 304 : i32
    %add3A_272 = arith.addi %mul3A_270, %add3A_271 : i32
    %add3A_273 = vector.broadcast %add3A_272 : i32 to vector<16xi32>
    %add3A_274 = arith.addi %add3A_273, %iota3A : vector<16xi32>
    %and3A_275 = arith.constant 511 : i32
    %and3A_276 = vector.broadcast %and3A_275 : i32 to vector<16xi32>
    %and3A_277 = arith.andi %add3A_274, %and3A_276 : vector<16xi32>
    %add3A_278 = arith.constant 5000 : i32
    %add3A_279 = vector.broadcast %add3A_278 : i32 to vector<16xi32>
    %add3A_280 = arith.addi %add3A_279, %and3A_277 : vector<16xi32>
    %swap3A_281 = arith.constant 304 : index
    %swap3A_282 = tpu.vector_load %arg6[%swap3A_281] {strides = array<i32>} : memref<336xi32, #tpu.memory_space<vmem>>, vector<16xi32>,
    tpu.vector_store %arg6[%swap3A_281], %add3A_280 {strides = array<i32>} : memref<336xi32, #tpu.memory_space<vmem>>, vector<16xi32>,
    %mul3A_283 = arith.constant 16 : i32
    %mul3A_284 = arith.muli %add3A, %mul3A_283 : i32
    %add3A_285 = arith.constant 320 : i32
    %add3A_286 = arith.addi %mul3A_284, %add3A_285 : i32
    %add3A_287 = vector.broadcast %add3A_286 : i32 to vector<16xi32>
    %add3A_288 = arith.addi %add3A_287, %iota3A : vector<16xi32>
    %and3A_289 = arith.constant 511 : i32
    %and3A_290 = vector.broadcast %and3A_289 : i32 to vector<16xi32>
    %and3A_291 = arith.andi %add3A_288, %and3A_290 : vector<16xi32>
    %add3A_292 = arith.constant 5000 : i32
    %add3A_293 = vector.broadcast %add3A_292 : i32 to vector<16xi32>
    %add3A_294 = arith.addi %add3A_293, %and3A_291 : vector<16xi32>
    %swap3A_295 = arith.constant 320 : index
    %swap3A_296 = tpu.vector_load %arg6[%swap3A_295] {strides = array<i32>} : memref<336xi32, #tpu.memory_space<vmem>>, vector<16xi32>,
    tpu.vector_store %arg6[%swap3A_295], %add3A_294 {strides = array<i32>} : memref<336xi32, #tpu.memory_space<vmem>>, vector<16xi32>,
    %add3A_297 = arith.constant 0 : i32
    %add3A_298 = arith.constant 4096 : i32
    %add3A_299 = arith.addi %add3A_297, %add3A_298 : i32
    %sub3A = arith.constant 1 : i32
    %sub3A_300 = arith.subi %add3A_299, %sub3A : i32
    %get3A = arith.index_cast %sub3A_300 : i32 to index
    %get3A_301 = tpu.vector_load %arg5[%get3A] {strides = array<i32>} : memref<8208xi32, #tpu.memory_space<vmem>>, vector<16xi32>,
    %slice3A = vector.extract_strided_slice %get3A_301 {offsets = [0], sizes = [1], strides = [1]} : vector<16xi32> to vector<1xi32>
    %squeeze3A = vector.extract %slice3A[0] : i32 from vector<1xi32>
    %lt3A = arith.cmpi slt, %squeeze3A, %multiple_of3A : i32
    %add3A_302 = arith.constant 0 : i32
    %add3A_303 = arith.constant 4096 : i32
    %add3A_304 = arith.addi %add3A_302, %add3A_303 : i32
    %jit3A_305 = arith.constant 0 : i32
    %select_n3A_306 = arith.select %lt3A, %add3A_304, %jit3A_305 : i32
    %add3A_307 = arith.constant 2048 : i32
    %add3A_308 = arith.addi %select_n3A_306, %add3A_307 : i32
    %sub3A_309 = arith.constant 1 : i32
    %sub3A_310 = arith.subi %add3A_308, %sub3A_309 : i32
    %get3A_311 = arith.index_cast %sub3A_310 : i32 to index
    %get3A_312 = tpu.vector_load %arg5[%get3A_311] {strides = array<i32>} : memref<8208xi32, #tpu.memory_space<vmem>>, vector<16xi32>,
    %slice3A_313 = vector.extract_strided_slice %get3A_312 {offsets = [0], sizes = [1], strides = [1]} : vector<16xi32> to vector<1xi32>
    %squeeze3A_314 = vector.extract %slice3A_313[0] : i32 from vector<1xi32>
    %lt3A_315 = arith.cmpi slt, %squeeze3A_314, %multiple_of3A : i32
    %add3A_316 = arith.constant 2048 : i32
    %add3A_317 = arith.addi %select_n3A_306, %add3A_316 : i32
    %select_n3A_318 = arith.select %lt3A_315, %add3A_317, %select_n3A_306 : i32
    %add3A_319 = arith.constant 1024 : i32
    %add3A_320 = arith.addi %select_n3A_318, %add3A_319 : i32
    %sub3A_321 = arith.constant 1 : i32
    %sub3A_322 = arith.subi %add3A_320, %sub3A_321 : i32
    %get3A_323 = arith.index_cast %sub3A_322 : i32 to index
    %get3A_324 = tpu.vector_load %arg5[%get3A_323] {strides = array<i32>} : memref<8208xi32, #tpu.memory_space<vmem>>, vector<16xi32>,
    %slice3A_325 = vector.extract_strided_slice %get3A_324 {offsets = [0], sizes = [1], strides = [1]} : vector<16xi32> to vector<1xi32>
    %squeeze3A_326 = vector.extract %slice3A_325[0] : i32 from vector<1xi32>
    %lt3A_327 = arith.cmpi slt, %squeeze3A_326, %multiple_of3A : i32
    %add3A_328 = arith.constant 1024 : i32
    %add3A_329 = arith.addi %select_n3A_318, %add3A_328 : i32
    %select_n3A_330 = arith.select %lt3A_327, %add3A_329, %select_n3A_318 : i32
    %add3A_331 = arith.constant 512 : i32
    %add3A_332 = arith.addi %select_n3A_330, %add3A_331 : i32
    %sub3A_333 = arith.constant 1 : i32
    %sub3A_334 = arith.subi %add3A_332, %sub3A_333 : i32
    %get3A_335 = arith.index_cast %sub3A_334 : i32 to index
    %get3A_336 = tpu.vector_load %arg5[%get3A_335] {strides = array<i32>} : memref<8208xi32, #tpu.memory_space<vmem>>, vector<16xi32>,
    %slice3A_337 = vector.extract_strided_slice %get3A_336 {offsets = [0], sizes = [1], strides = [1]} : vector<16xi32> to vector<1xi32>
    %squeeze3A_338 = vector.extract %slice3A_337[0] : i32 from vector<1xi32>
    %lt3A_339 = arith.cmpi slt, %squeeze3A_338, %multiple_of3A : i32
    %add3A_340 = arith.constant 512 : i32
    %add3A_341 = arith.addi %select_n3A_330, %add3A_340 : i32
    %select_n3A_342 = arith.select %lt3A_339, %add3A_341, %select_n3A_330 : i32
    %add3A_343 = arith.constant 256 : i32
    %add3A_344 = arith.addi %select_n3A_342, %add3A_343 : i32
    %sub3A_345 = arith.constant 1 : i32
    %sub3A_346 = arith.subi %add3A_344, %sub3A_345 : i32
    %get3A_347 = arith.index_cast %sub3A_346 : i32 to index
    %get3A_348 = tpu.vector_load %arg5[%get3A_347] {strides = array<i32>} : memref<8208xi32, #tpu.memory_space<vmem>>, vector<16xi32>,
    %slice3A_349 = vector.extract_strided_slice %get3A_348 {offsets = [0], sizes = [1], strides = [1]} : vector<16xi32> to vector<1xi32>
    %squeeze3A_350 = vector.extract %slice3A_349[0] : i32 from vector<1xi32>
    %lt3A_351 = arith.cmpi slt, %squeeze3A_350, %multiple_of3A : i32
    %add3A_352 = arith.constant 256 : i32
    %add3A_353 = arith.addi %select_n3A_342, %add3A_352 : i32
    %select_n3A_354 = arith.select %lt3A_351, %add3A_353, %select_n3A_342 : i32
    %add3A_355 = arith.constant 128 : i32
    %add3A_356 = arith.addi %select_n3A_354, %add3A_355 : i32
    %sub3A_357 = arith.constant 1 : i32
    %sub3A_358 = arith.subi %add3A_356, %sub3A_357 : i32
    %get3A_359 = arith.index_cast %sub3A_358 : i32 to index
    %get3A_360 = tpu.vector_load %arg5[%get3A_359] {strides = array<i32>} : memref<8208xi32, #tpu.memory_space<vmem>>, vector<16xi32>,
    %slice3A_361 = vector.extract_strided_slice %get3A_360 {offsets = [0], sizes = [1], strides = [1]} : vector<16xi32> to vector<1xi32>
    %squeeze3A_362 = vector.extract %slice3A_361[0] : i32 from vector<1xi32>
    %lt3A_363 = arith.cmpi slt, %squeeze3A_362, %multiple_of3A : i32
    %add3A_364 = arith.constant 128 : i32
    %add3A_365 = arith.addi %select_n3A_354, %add3A_364 : i32
    %select_n3A_366 = arith.select %lt3A_363, %add3A_365, %select_n3A_354 : i32
    %add3A_367 = arith.constant 64 : i32
    %add3A_368 = arith.addi %select_n3A_366, %add3A_367 : i32
    %sub3A_369 = arith.constant 1 : i32
    %sub3A_370 = arith.subi %add3A_368, %sub3A_369 : i32
    %get3A_371 = arith.index_cast %sub3A_370 : i32 to index
    %get3A_372 = tpu.vector_load %arg5[%get3A_371] {strides = array<i32>} : memref<8208xi32, #tpu.memory_space<vmem>>, vector<16xi32>,
    %slice3A_373 = vector.extract_strided_slice %get3A_372 {offsets = [0], sizes = [1], strides = [1]} : vector<16xi32> to vector<1xi32>
    %squeeze3A_374 = vector.extract %slice3A_373[0] : i32 from vector<1xi32>
    %lt3A_375 = arith.cmpi slt, %squeeze3A_374, %multiple_of3A : i32
    %add3A_376 = arith.constant 64 : i32
    %add3A_377 = arith.addi %select_n3A_366, %add3A_376 : i32
    %select_n3A_378 = arith.select %lt3A_375, %add3A_377, %select_n3A_366 : i32
    %add3A_379 = arith.constant 32 : i32
    %add3A_380 = arith.addi %select_n3A_378, %add3A_379 : i32
    %sub3A_381 = arith.constant 1 : i32
    %sub3A_382 = arith.subi %add3A_380, %sub3A_381 : i32
    %get3A_383 = arith.index_cast %sub3A_382 : i32 to index
    %get3A_384 = tpu.vector_load %arg5[%get3A_383] {strides = array<i32>} : memref<8208xi32, #tpu.memory_space<vmem>>, vector<16xi32>,
    %slice3A_385 = vector.extract_strided_slice %get3A_384 {offsets = [0], sizes = [1], strides = [1]} : vector<16xi32> to vector<1xi32>
    %squeeze3A_386 = vector.extract %slice3A_385[0] : i32 from vector<1xi32>
    %lt3A_387 = arith.cmpi slt, %squeeze3A_386, %multiple_of3A : i32
    %add3A_388 = arith.constant 32 : i32
    %add3A_389 = arith.addi %select_n3A_378, %add3A_388 : i32
    %select_n3A_390 = arith.select %lt3A_387, %add3A_389, %select_n3A_378 : i32
    %add3A_391 = arith.constant 16 : i32
    %add3A_392 = arith.addi %select_n3A_390, %add3A_391 : i32
    %sub3A_393 = arith.constant 1 : i32
    %sub3A_394 = arith.subi %add3A_392, %sub3A_393 : i32
    %get3A_395 = arith.index_cast %sub3A_394 : i32 to index
    %get3A_396 = tpu.vector_load %arg5[%get3A_395] {strides = array<i32>} : memref<8208xi32, #tpu.memory_space<vmem>>, vector<16xi32>,
    %slice3A_397 = vector.extract_strided_slice %get3A_396 {offsets = [0], sizes = [1], strides = [1]} : vector<16xi32> to vector<1xi32>
    %squeeze3A_398 = vector.extract %slice3A_397[0] : i32 from vector<1xi32>
    %lt3A_399 = arith.cmpi slt, %squeeze3A_398, %multiple_of3A : i32
    %add3A_400 = arith.constant 16 : i32
    %add3A_401 = arith.addi %select_n3A_390, %add3A_400 : i32
    %select_n3A_402 = arith.select %lt3A_399, %add3A_401, %select_n3A_390 : i32
    %add3A_403 = arith.constant 8 : i32
    %add3A_404 = arith.addi %select_n3A_402, %add3A_403 : i32
    %sub3A_405 = arith.constant 1 : i32
    %sub3A_406 = arith.subi %add3A_404, %sub3A_405 : i32
    %get3A_407 = arith.index_cast %sub3A_406 : i32 to index
    %get3A_408 = tpu.vector_load %arg5[%get3A_407] {strides = array<i32>} : memref<8208xi32, #tpu.memory_space<vmem>>, vector<16xi32>,
    %slice3A_409 = vector.extract_strided_slice %get3A_408 {offsets = [0], sizes = [1], strides = [1]} : vector<16xi32> to vector<1xi32>
    %squeeze3A_410 = vector.extract %slice3A_409[0] : i32 from vector<1xi32>
    %lt3A_411 = arith.cmpi slt, %squeeze3A_410, %multiple_of3A : i32
    %add3A_412 = arith.constant 8 : i32
    %add3A_413 = arith.addi %select_n3A_402, %add3A_412 : i32
    %select_n3A_414 = arith.select %lt3A_411, %add3A_413, %select_n3A_402 : i32
    %add3A_415 = arith.constant 4 : i32
    %add3A_416 = arith.addi %select_n3A_414, %add3A_415 : i32
    %sub3A_417 = arith.constant 1 : i32
    %sub3A_418 = arith.subi %add3A_416, %sub3A_417 : i32
    %get3A_419 = arith.index_cast %sub3A_418 : i32 to index
    %get3A_420 = tpu.vector_load %arg5[%get3A_419] {strides = array<i32>} : memref<8208xi32, #tpu.memory_space<vmem>>, vector<16xi32>,
    %slice3A_421 = vector.extract_strided_slice %get3A_420 {offsets = [0], sizes = [1], strides = [1]} : vector<16xi32> to vector<1xi32>
    %squeeze3A_422 = vector.extract %slice3A_421[0] : i32 from vector<1xi32>
    %lt3A_423 = arith.cmpi slt, %squeeze3A_422, %multiple_of3A : i32
    %add3A_424 = arith.constant 4 : i32
    %add3A_425 = arith.addi %select_n3A_414, %add3A_424 : i32
    %select_n3A_426 = arith.select %lt3A_423, %add3A_425, %select_n3A_414 : i32
    %add3A_427 = arith.constant 2 : i32
    %add3A_428 = arith.addi %select_n3A_426, %add3A_427 : i32
    %sub3A_429 = arith.constant 1 : i32
    %sub3A_430 = arith.subi %add3A_428, %sub3A_429 : i32
    %get3A_431 = arith.index_cast %sub3A_430 : i32 to index
    %get3A_432 = tpu.vector_load %arg5[%get3A_431] {strides = array<i32>} : memref<8208xi32, #tpu.memory_space<vmem>>, vector<16xi32>,
    %slice3A_433 = vector.extract_strided_slice %get3A_432 {offsets = [0], sizes = [1], strides = [1]} : vector<16xi32> to vector<1xi32>
    %squeeze3A_434 = vector.extract %slice3A_433[0] : i32 from vector<1xi32>
    %lt3A_435 = arith.cmpi slt, %squeeze3A_434, %multiple_of3A : i32
    %add3A_436 = arith.constant 2 : i32
    %add3A_437 = arith.addi %select_n3A_426, %add3A_436 : i32
    %select_n3A_438 = arith.select %lt3A_435, %add3A_437, %select_n3A_426 : i32
    %add3A_439 = arith.constant 1 : i32
    %add3A_440 = arith.addi %select_n3A_438, %add3A_439 : i32
    %sub3A_441 = arith.constant 1 : i32
    %sub3A_442 = arith.subi %add3A_440, %sub3A_441 : i32
    %get3A_443 = arith.index_cast %sub3A_442 : i32 to index
    %get3A_444 = tpu.vector_load %arg5[%get3A_443] {strides = array<i32>} : memref<8208xi32, #tpu.memory_space<vmem>>, vector<16xi32>,
    %slice3A_445 = vector.extract_strided_slice %get3A_444 {offsets = [0], sizes = [1], strides = [1]} : vector<16xi32> to vector<1xi32>
    %squeeze3A_446 = vector.extract %slice3A_445[0] : i32 from vector<1xi32>
    %lt3A_447 = arith.cmpi slt, %squeeze3A_446, %multiple_of3A : i32
    %add3A_448 = arith.constant 1 : i32
    %add3A_449 = arith.addi %select_n3A_438, %add3A_448 : i32
    %select_n3A_450 = arith.select %lt3A_447, %add3A_449, %select_n3A_438 : i32
    %add3A_451 = arith.addi %multiple_of3A, %select_n3A : i32
    %add3A_452 = arith.constant 0 : i32
    %add3A_453 = arith.constant 4096 : i32
    %add3A_454 = arith.addi %add3A_452, %add3A_453 : i32
    %sub3A_455 = arith.constant 1 : i32
    %sub3A_456 = arith.subi %add3A_454, %sub3A_455 : i32
    %get3A_457 = arith.index_cast %sub3A_456 : i32 to index
    %get3A_458 = tpu.vector_load %arg5[%get3A_457] {strides = array<i32>} : memref<8208xi32, #tpu.memory_space<vmem>>, vector<16xi32>,
    %slice3A_459 = vector.extract_strided_slice %get3A_458 {offsets = [0], sizes = [1], strides = [1]} : vector<16xi32> to vector<1xi32>
    %squeeze3A_460 = vector.extract %slice3A_459[0] : i32 from vector<1xi32>
    %lt3A_461 = arith.cmpi slt, %squeeze3A_460, %add3A_451 : i32
    %add3A_462 = arith.constant 0 : i32
    %add3A_463 = arith.constant 4096 : i32
    %add3A_464 = arith.addi %add3A_462, %add3A_463 : i32
    %jit3A_465 = arith.constant 0 : i32
    %select_n3A_466 = arith.select %lt3A_461, %add3A_464, %jit3A_465 : i32
    %add3A_467 = arith.constant 2048 : i32
    %add3A_468 = arith.addi %select_n3A_466, %add3A_467 : i32
    %sub3A_469 = arith.constant 1 : i32
    %sub3A_470 = arith.subi %add3A_468, %sub3A_469 : i32
    %get3A_471 = arith.index_cast %sub3A_470 : i32 to index
    %get3A_472 = tpu.vector_load %arg5[%get3A_471] {strides = array<i32>} : memref<8208xi32, #tpu.memory_space<vmem>>, vector<16xi32>,
    %slice3A_473 = vector.extract_strided_slice %get3A_472 {offsets = [0], sizes = [1], strides = [1]} : vector<16xi32> to vector<1xi32>
    %squeeze3A_474 = vector.extract %slice3A_473[0] : i32 from vector<1xi32>
    %lt3A_475 = arith.cmpi slt, %squeeze3A_474, %add3A_451 : i32
    %add3A_476 = arith.constant 2048 : i32
    %add3A_477 = arith.addi %select_n3A_466, %add3A_476 : i32
    %select_n3A_478 = arith.select %lt3A_475, %add3A_477, %select_n3A_466 : i32
    %add3A_479 = arith.constant 1024 : i32
    %add3A_480 = arith.addi %select_n3A_478, %add3A_479 : i32
    %sub3A_481 = arith.constant 1 : i32
    %sub3A_482 = arith.subi %add3A_480, %sub3A_481 : i32
    %get3A_483 = arith.index_cast %sub3A_482 : i32 to index
    %get3A_484 = tpu.vector_load %arg5[%get3A_483] {strides = array<i32>} : memref<8208xi32, #tpu.memory_space<vmem>>, vector<16xi32>,
    %slice3A_485 = vector.extract_strided_slice %get3A_484 {offsets = [0], sizes = [1], strides = [1]} : vector<16xi32> to vector<1xi32>
    %squeeze3A_486 = vector.extract %slice3A_485[0] : i32 from vector<1xi32>
    %lt3A_487 = arith.cmpi slt, %squeeze3A_486, %add3A_451 : i32
    %add3A_488 = arith.constant 1024 : i32
    %add3A_489 = arith.addi %select_n3A_478, %add3A_488 : i32
    %select_n3A_490 = arith.select %lt3A_487, %add3A_489, %select_n3A_478 : i32
    %add3A_491 = arith.constant 512 : i32
    %add3A_492 = arith.addi %select_n3A_490, %add3A_491 : i32
    %sub3A_493 = arith.constant 1 : i32
    %sub3A_494 = arith.subi %add3A_492, %sub3A_493 : i32
    %get3A_495 = arith.index_cast %sub3A_494 : i32 to index
    %get3A_496 = tpu.vector_load %arg5[%get3A_495] {strides = array<i32>} : memref<8208xi32, #tpu.memory_space<vmem>>, vector<16xi32>,
    %slice3A_497 = vector.extract_strided_slice %get3A_496 {offsets = [0], sizes = [1], strides = [1]} : vector<16xi32> to vector<1xi32>
    %squeeze3A_498 = vector.extract %slice3A_497[0] : i32 from vector<1xi32>
    %lt3A_499 = arith.cmpi slt, %squeeze3A_498, %add3A_451 : i32
    %add3A_500 = arith.constant 512 : i32
    %add3A_501 = arith.addi %select_n3A_490, %add3A_500 : i32
    %select_n3A_502 = arith.select %lt3A_499, %add3A_501, %select_n3A_490 : i32
    %add3A_503 = arith.constant 256 : i32
    %add3A_504 = arith.addi %select_n3A_502, %add3A_503 : i32
    %sub3A_505 = arith.constant 1 : i32
    %sub3A_506 = arith.subi %add3A_504, %sub3A_505 : i32
    %get3A_507 = arith.index_cast %sub3A_506 : i32 to index
    %get3A_508 = tpu.vector_load %arg5[%get3A_507] {strides = array<i32>} : memref<8208xi32, #tpu.memory_space<vmem>>, vector<16xi32>,
    %slice3A_509 = vector.extract_strided_slice %get3A_508 {offsets = [0], sizes = [1], strides = [1]} : vector<16xi32> to vector<1xi32>
    %squeeze3A_510 = vector.extract %slice3A_509[0] : i32 from vector<1xi32>
    %lt3A_511 = arith.cmpi slt, %squeeze3A_510, %add3A_451 : i32
    %add3A_512 = arith.constant 256 : i32
    %add3A_513 = arith.addi %select_n3A_502, %add3A_512 : i32
    %select_n3A_514 = arith.select %lt3A_511, %add3A_513, %select_n3A_502 : i32
    %add3A_515 = arith.constant 128 : i32
    %add3A_516 = arith.addi %select_n3A_514, %add3A_515 : i32
    %sub3A_517 = arith.constant 1 : i32
    %sub3A_518 = arith.subi %add3A_516, %sub3A_517 : i32
    %get3A_519 = arith.index_cast %sub3A_518 : i32 to index
    %get3A_520 = tpu.vector_load %arg5[%get3A_519] {strides = array<i32>} : memref<8208xi32, #tpu.memory_space<vmem>>, vector<16xi32>,
    %slice3A_521 = vector.extract_strided_slice %get3A_520 {offsets = [0], sizes = [1], strides = [1]} : vector<16xi32> to vector<1xi32>
    %squeeze3A_522 = vector.extract %slice3A_521[0] : i32 from vector<1xi32>
    %lt3A_523 = arith.cmpi slt, %squeeze3A_522, %add3A_451 : i32
    %add3A_524 = arith.constant 128 : i32
    %add3A_525 = arith.addi %select_n3A_514, %add3A_524 : i32
    %select_n3A_526 = arith.select %lt3A_523, %add3A_525, %select_n3A_514 : i32
    %add3A_527 = arith.constant 64 : i32
    %add3A_528 = arith.addi %select_n3A_526, %add3A_527 : i32
    %sub3A_529 = arith.constant 1 : i32
    %sub3A_530 = arith.subi %add3A_528, %sub3A_529 : i32
    %get3A_531 = arith.index_cast %sub3A_530 : i32 to index
    %get3A_532 = tpu.vector_load %arg5[%get3A_531] {strides = array<i32>} : memref<8208xi32, #tpu.memory_space<vmem>>, vector<16xi32>,
    %slice3A_533 = vector.extract_strided_slice %get3A_532 {offsets = [0], sizes = [1], strides = [1]} : vector<16xi32> to vector<1xi32>
    %squeeze3A_534 = vector.extract %slice3A_533[0] : i32 from vector<1xi32>
    %lt3A_535 = arith.cmpi slt, %squeeze3A_534, %add3A_451 : i32
    %add3A_536 = arith.constant 64 : i32
    %add3A_537 = arith.addi %select_n3A_526, %add3A_536 : i32
    %select_n3A_538 = arith.select %lt3A_535, %add3A_537, %select_n3A_526 : i32
    %add3A_539 = arith.constant 32 : i32
    %add3A_540 = arith.addi %select_n3A_538, %add3A_539 : i32
    %sub3A_541 = arith.constant 1 : i32
    %sub3A_542 = arith.subi %add3A_540, %sub3A_541 : i32
    %get3A_543 = arith.index_cast %sub3A_542 : i32 to index
    %get3A_544 = tpu.vector_load %arg5[%get3A_543] {strides = array<i32>} : memref<8208xi32, #tpu.memory_space<vmem>>, vector<16xi32>,
    %slice3A_545 = vector.extract_strided_slice %get3A_544 {offsets = [0], sizes = [1], strides = [1]} : vector<16xi32> to vector<1xi32>
    %squeeze3A_546 = vector.extract %slice3A_545[0] : i32 from vector<1xi32>
    %lt3A_547 = arith.cmpi slt, %squeeze3A_546, %add3A_451 : i32
    %add3A_548 = arith.constant 32 : i32
    %add3A_549 = arith.addi %select_n3A_538, %add3A_548 : i32
    %select_n3A_550 = arith.select %lt3A_547, %add3A_549, %select_n3A_538 : i32
    %add3A_551 = arith.constant 16 : i32
    %add3A_552 = arith.addi %select_n3A_550, %add3A_551 : i32
    %sub3A_553 = arith.constant 1 : i32
    %sub3A_554 = arith.subi %add3A_552, %sub3A_553 : i32
    %get3A_555 = arith.index_cast %sub3A_554 : i32 to index
    %get3A_556 = tpu.vector_load %arg5[%get3A_555] {strides = array<i32>} : memref<8208xi32, #tpu.memory_space<vmem>>, vector<16xi32>,
    %slice3A_557 = vector.extract_strided_slice %get3A_556 {offsets = [0], sizes = [1], strides = [1]} : vector<16xi32> to vector<1xi32>
    %squeeze3A_558 = vector.extract %slice3A_557[0] : i32 from vector<1xi32>
    %lt3A_559 = arith.cmpi slt, %squeeze3A_558, %add3A_451 : i32
    %add3A_560 = arith.constant 16 : i32
    %add3A_561 = arith.addi %select_n3A_550, %add3A_560 : i32
    %select_n3A_562 = arith.select %lt3A_559, %add3A_561, %select_n3A_550 : i32
    %add3A_563 = arith.constant 8 : i32
    %add3A_564 = arith.addi %select_n3A_562, %add3A_563 : i32
    %sub3A_565 = arith.constant 1 : i32
    %sub3A_566 = arith.subi %add3A_564, %sub3A_565 : i32
    %get3A_567 = arith.index_cast %sub3A_566 : i32 to index
    %get3A_568 = tpu.vector_load %arg5[%get3A_567] {strides = array<i32>} : memref<8208xi32, #tpu.memory_space<vmem>>, vector<16xi32>,
    %slice3A_569 = vector.extract_strided_slice %get3A_568 {offsets = [0], sizes = [1], strides = [1]} : vector<16xi32> to vector<1xi32>
    %squeeze3A_570 = vector.extract %slice3A_569[0] : i32 from vector<1xi32>
    %lt3A_571 = arith.cmpi slt, %squeeze3A_570, %add3A_451 : i32
    %add3A_572 = arith.constant 8 : i32
    %add3A_573 = arith.addi %select_n3A_562, %add3A_572 : i32
    %select_n3A_574 = arith.select %lt3A_571, %add3A_573, %select_n3A_562 : i32
    %add3A_575 = arith.constant 4 : i32
    %add3A_576 = arith.addi %select_n3A_574, %add3A_575 : i32
    %sub3A_577 = arith.constant 1 : i32
    %sub3A_578 = arith.subi %add3A_576, %sub3A_577 : i32
    %get3A_579 = arith.index_cast %sub3A_578 : i32 to index
    %get3A_580 = tpu.vector_load %arg5[%get3A_579] {strides = array<i32>} : memref<8208xi32, #tpu.memory_space<vmem>>, vector<16xi32>,
    %slice3A_581 = vector.extract_strided_slice %get3A_580 {offsets = [0], sizes = [1], strides = [1]} : vector<16xi32> to vector<1xi32>
    %squeeze3A_582 = vector.extract %slice3A_581[0] : i32 from vector<1xi32>
    %lt3A_583 = arith.cmpi slt, %squeeze3A_582, %add3A_451 : i32
    %add3A_584 = arith.constant 4 : i32
    %add3A_585 = arith.addi %select_n3A_574, %add3A_584 : i32
    %select_n3A_586 = arith.select %lt3A_583, %add3A_585, %select_n3A_574 : i32
    %add3A_587 = arith.constant 2 : i32
    %add3A_588 = arith.addi %select_n3A_586, %add3A_587 : i32
    %sub3A_589 = arith.constant 1 : i32
    %sub3A_590 = arith.subi %add3A_588, %sub3A_589 : i32
    %get3A_591 = arith.index_cast %sub3A_590 : i32 to index
    %get3A_592 = tpu.vector_load %arg5[%get3A_591] {strides = array<i32>} : memref<8208xi32, #tpu.memory_space<vmem>>, vector<16xi32>,
    %slice3A_593 = vector.extract_strided_slice %get3A_592 {offsets = [0], sizes = [1], strides = [1]} : vector<16xi32> to vector<1xi32>
    %squeeze3A_594 = vector.extract %slice3A_593[0] : i32 from vector<1xi32>
    %lt3A_595 = arith.cmpi slt, %squeeze3A_594, %add3A_451 : i32
    %add3A_596 = arith.constant 2 : i32
    %add3A_597 = arith.addi %select_n3A_586, %add3A_596 : i32
    %select_n3A_598 = arith.select %lt3A_595, %add3A_597, %select_n3A_586 : i32
    %add3A_599 = arith.constant 1 : i32
    %add3A_600 = arith.addi %select_n3A_598, %add3A_599 : i32
    %sub3A_601 = arith.constant 1 : i32
    %sub3A_602 = arith.subi %add3A_600, %sub3A_601 : i32
    %get3A_603 = arith.index_cast %sub3A_602 : i32 to index
    %get3A_604 = tpu.vector_load %arg5[%get3A_603] {strides = array<i32>} : memref<8208xi32, #tpu.memory_space<vmem>>, vector<16xi32>,
    %slice3A_605 = vector.extract_strided_slice %get3A_604 {offsets = [0], sizes = [1], strides = [1]} : vector<16xi32> to vector<1xi32>
    %squeeze3A_606 = vector.extract %slice3A_605[0] : i32 from vector<1xi32>
    %lt3A_607 = arith.cmpi slt, %squeeze3A_606, %add3A_451 : i32
    %add3A_608 = arith.constant 1 : i32
    %add3A_609 = arith.addi %select_n3A_598, %add3A_608 : i32
    %select_n3A_610 = arith.select %lt3A_607, %add3A_609, %select_n3A_598 : i32
    %iota3A_611 = tpu.iota {dimensions = array<i32: 0>} : vector<16xi32>
    %jit3A_612 = arith.constant 16 : i32
    "tpu.trace_start"() <{level = 10 : i32, message = "scan"}> : () -> ()
    %div3A = arith.divsi %select_n3A_450, %jit3A_612 : i32
    %sign3A = arith.constant 0 : i32
    %sign3A_613 = arith.cmpi sgt, %select_n3A_450, %sign3A : i32
    %sign3A_614 = arith.extui %sign3A_613 : i1 to i32
    %sign3A_615 = arith.constant 0 : i32
    %sign3A_616 = arith.cmpi slt, %select_n3A_450, %sign3A_615 : i32
    %sign3A_617 = arith.extui %sign3A_616 : i1 to i32
    %sign3A_618 = arith.subi %sign3A_614, %sign3A_617 : i32
    %sign3A_619 = arith.constant 0 : i32
    %sign3A_620 = arith.cmpi sgt, %jit3A_612, %sign3A_619 : i32
    %sign3A_621 = arith.extui %sign3A_620 : i1 to i32
    %sign3A_622 = arith.constant 0 : i32
    %sign3A_623 = arith.cmpi slt, %jit3A_612, %sign3A_622 : i32
    %sign3A_624 = arith.extui %sign3A_623 : i1 to i32
    %sign3A_625 = arith.subi %sign3A_621, %sign3A_624 : i32
    %ne3A = arith.cmpi ne, %sign3A_618, %sign3A_625 : i32
    %rem3A = arith.remsi %select_n3A_450, %jit3A_612 : i32
    %ne3A_626 = arith.constant 0 : i32
    %ne3A_627 = arith.cmpi ne, %rem3A, %ne3A_626 : i32
    %and3A_628 = arith.andi %ne3A, %ne3A_627 : i1
    %sub3A_629 = arith.constant 1 : i32
    %sub3A_630 = arith.subi %div3A, %sub3A_629 : i32
    %select_n3A_631 = arith.select %and3A_628, %sub3A_630, %div3A : i32
    %add3A_632 = arith.constant 15 : i32
    %add3A_633 = arith.addi %select_n3A_610, %add3A_632 : i32
    %jit3A_634 = arith.constant 16 : i32
    %div3A_635 = arith.divsi %add3A_633, %jit3A_634 : i32
    %sign3A_636 = arith.constant 0 : i32
    %sign3A_637 = arith.cmpi sgt, %add3A_633, %sign3A_636 : i32
    %sign3A_638 = arith.extui %sign3A_637 : i1 to i32
    %sign3A_639 = arith.constant 0 : i32
    %sign3A_640 = arith.cmpi slt, %add3A_633, %sign3A_639 : i32
    %sign3A_641 = arith.extui %sign3A_640 : i1 to i32
    %sign3A_642 = arith.subi %sign3A_638, %sign3A_641 : i32
    %sign3A_643 = arith.constant 0 : i32
    %sign3A_644 = arith.cmpi sgt, %jit3A_634, %sign3A_643 : i32
    %sign3A_645 = arith.extui %sign3A_644 : i1 to i32
    %sign3A_646 = arith.constant 0 : i32
    %sign3A_647 = arith.cmpi slt, %jit3A_634, %sign3A_646 : i32
    %sign3A_648 = arith.extui %sign3A_647 : i1 to i32
    %sign3A_649 = arith.subi %sign3A_645, %sign3A_648 : i32
    %ne3A_650 = arith.cmpi ne, %sign3A_642, %sign3A_649 : i32
    %rem3A_651 = arith.remsi %add3A_633, %jit3A_634 : i32
    %ne3A_652 = arith.constant 0 : i32
    %ne3A_653 = arith.cmpi ne, %rem3A_651, %ne3A_652 : i32
    %and3A_654 = arith.andi %ne3A_650, %ne3A_653 : i1
    %sub3A_655 = arith.constant 1 : i32
    %sub3A_656 = arith.subi %div3A_635, %sub3A_655 : i32
    %select_n3A_657 = arith.select %and3A_654, %sub3A_656, %div3A_635 : i32
    %while3A = arith.constant 0 : i32
    %while3A_658 = arith.subi %select_n3A_657, %select_n3A_631 : i32
    %while3A_659 = arith.addi %select_n3A_631, %while3A_658 : i32
    %while3A_660 = arith.constant 1 : i32
    %while3A_661 = arith.divsi %while3A_658, %while3A_660 : i32
    %while3A_662 = arith.muli %while3A_661, %while3A_660 : i32
    %while3A_663 = arith.addi %select_n3A_631, %while3A_662 : i32
    %while3A_664 = arith.constant 1 : i32
    scf.for %while3A_824 = %select_n3A_631 to %while3A_663 step %while3A_664  : i32 {
      %mul3A_825 = arith.constant 16 : i32
      %mul3A_826 = arith.muli %while3A_824, %mul3A_825 : i32
      %get3A_827 = arith.index_cast %mul3A_826 : i32 to index
      %get3A_828 = tpu.vector_load %arg5[%get3A_827] {strides = array<i32>} : memref<8208xi32, #tpu.memory_space<vmem>>, vector<16xi32>,
      %add3A_829 = arith.constant 1 : i32
      %add3A_830 = arith.addi %mul3A_826, %add3A_829 : i32
      %get3A_831 = arith.index_cast %add3A_830 : i32 to index
      %get3A_832 = tpu.vector_load %arg5[%get3A_831] {strides = array<i32>} : memref<8208xi32, #tpu.memory_space<vmem>>, vector<16xi32>,
      %ne3A_833 = arith.cmpi ne, %get3A_828, %get3A_832 : vector<16xi32>
      %ge3A = vector.broadcast %multiple_of3A : i32 to vector<16xi32>
      %ge3A_834 = arith.cmpi sge, %get3A_828, %ge3A : vector<16xi32>
      %and3A_835 = arith.andi %ne3A_833, %ge3A_834 : vector<16xi1>
      %add3A_836 = arith.addi %multiple_of3A, %select_n3A : i32
      %lt3A_837 = vector.broadcast %add3A_836 : i32 to vector<16xi32>
      %lt3A_838 = arith.cmpi slt, %get3A_828, %lt3A_837 : vector<16xi32>
      %and3A_839 = arith.andi %and3A_835, %lt3A_838 : vector<16xi1>
      %sub3A_840 = vector.broadcast %multiple_of3A : i32 to vector<16xi32>
      %sub3A_841 = arith.subi %get3A_828, %sub3A_840 : vector<16xi32>
      %add3A_842 = vector.broadcast %mul3A_826 : i32 to vector<16xi32>
      %add3A_843 = arith.addi %iota3A_611, %add3A_842 : vector<16xi32>
      tpu.vector_store_idx %arg6[%sub3A_841], %add3A_843 masked %and3A_839 : memref<336xi32, #tpu.memory_space<vmem>>[vector<16xi32>], vector<16xi32>, vector<16xi1>
    }
    %while3A_665 = arith.constant 1 : i32
    scf.for %while3A_824 = %while3A_663 to %while3A_659 step %while3A_665  : i32 {
      %mul3A_825 = arith.constant 16 : i32
      %mul3A_826 = arith.muli %while3A_824, %mul3A_825 : i32
      %get3A_827 = arith.index_cast %mul3A_826 : i32 to index
      %get3A_828 = tpu.vector_load %arg5[%get3A_827] {strides = array<i32>} : memref<8208xi32, #tpu.memory_space<vmem>>, vector<16xi32>,
      %add3A_829 = arith.constant 1 : i32
      %add3A_830 = arith.addi %mul3A_826, %add3A_829 : i32
      %get3A_831 = arith.index_cast %add3A_830 : i32 to index
      %get3A_832 = tpu.vector_load %arg5[%get3A_831] {strides = array<i32>} : memref<8208xi32, #tpu.memory_space<vmem>>, vector<16xi32>,
      %ne3A_833 = arith.cmpi ne, %get3A_828, %get3A_832 : vector<16xi32>
      %ge3A = vector.broadcast %multiple_of3A : i32 to vector<16xi32>
      %ge3A_834 = arith.cmpi sge, %get3A_828, %ge3A : vector<16xi32>
      %and3A_835 = arith.andi %ne3A_833, %ge3A_834 : vector<16xi1>
      %add3A_836 = arith.addi %multiple_of3A, %select_n3A : i32
      %lt3A_837 = vector.broadcast %add3A_836 : i32 to vector<16xi32>
      %lt3A_838 = arith.cmpi slt, %get3A_828, %lt3A_837 : vector<16xi32>
      %and3A_839 = arith.andi %and3A_835, %lt3A_838 : vector<16xi1>
      %sub3A_840 = vector.broadcast %multiple_of3A : i32 to vector<16xi32>
      %sub3A_841 = arith.subi %get3A_828, %sub3A_840 : vector<16xi32>
      %add3A_842 = vector.broadcast %mul3A_826 : i32 to vector<16xi32>
      %add3A_843 = arith.addi %iota3A_611, %add3A_842 : vector<16xi32>
      tpu.vector_store_idx %arg6[%sub3A_841], %add3A_843 masked %and3A_839 : memref<336xi32, #tpu.memory_space<vmem>>[vector<16xi32>], vector<16xi32>, vector<16xi1>
    }
    "tpu.trace_stop"() : () -> ()
    "tpu.trace_start"() <{level = 10 : i32, message = "pull"}> : () -> ()
    %dma_start3A = arith.constant 0 : i32
    %dma_start3A_666 = tpu.memref_slice %arg6[%dma_start3A] : memref<336xi32, #tpu.memory_space<vmem>> -> memref<24xi32, #tpu.memory_space<vmem>>
    %dma_start3A_667 = arith.constant 0 : i32
    %dma_start3A_668 = arith.constant 0 : i32
    %dma_start3A_669 = tpu.memref_slice %arg2[%dma_start3A_667, %dma_start3A_668] : memref<5512x512xf32, #tpu.memory_space<hbm>> -> memref<5512x512xf32, #tpu.memory_space<hbm>>
    tpu.enqueue_indirect_dma source(%dma_start3A_669 : memref<5512x512xf32, #tpu.memory_space<hbm>>) target(%arg7 : memref<24x512xf32, #tpu.memory_space<vmem>>) offsets(%dma_start3A_666 : memref<24xi32, #tpu.memory_space<vmem>>) semaphore(%arg10 : memref<!tpu.dma_semaphore, #tpu.memory_space<semaphore_mem>>)
    %convert_element_type3A = arith.extui %eq3A_3 : i1 to i32
    %cond3A = arith.constant 0 : i32
    %cond3A_670 = arith.cmpi ne, %convert_element_type3A, %cond3A : i32
    scf.if %cond3A_670 {
      %dma_start3A_824 = arith.constant 312 : i32
      %dma_start3A_825 = tpu.memref_slice %arg6[%dma_start3A_824] : memref<336xi32, #tpu.memory_space<vmem>> -> memref<16xi32, #tpu.memory_space<vmem>>
      %dma_start3A_826 = arith.constant 0 : i32
      %dma_start3A_827 = arith.constant 0 : i32
      %dma_start3A_828 = tpu.memref_slice %arg2[%dma_start3A_826, %dma_start3A_827] : memref<5512x512xf32, #tpu.memory_space<hbm>> -> memref<5512x512xf32, #tpu.memory_space<hbm>>
      tpu.enqueue_indirect_dma source(%dma_start3A_828 : memref<5512x512xf32, #tpu.memory_space<hbm>>) target(%arg9 : memref<16x512xf32, #tpu.memory_space<vmem>>) offsets(%dma_start3A_825 : memref<16xi32, #tpu.memory_space<vmem>>) semaphore(%arg12 : memref<!tpu.dma_semaphore, #tpu.memory_space<semaphore_mem>>)
    } else {
    }
    %dma_start3A_671 = arith.constant 24 : i32
    %dma_start3A_672 = tpu.memref_slice %arg6[%dma_start3A_671] : memref<336xi32, #tpu.memory_space<vmem>> -> memref<24xi32, #tpu.memory_space<vmem>>
    %dma_start3A_673 = arith.constant 0 : i32
    %dma_start3A_674 = arith.constant 0 : i32
    %dma_start3A_675 = tpu.memref_slice %arg2[%dma_start3A_673, %dma_start3A_674] : memref<5512x512xf32, #tpu.memory_space<hbm>> -> memref<5512x512xf32, #tpu.memory_space<hbm>>
    tpu.enqueue_indirect_dma source(%dma_start3A_675 : memref<5512x512xf32, #tpu.memory_space<hbm>>) target(%arg8 : memref<24x512xf32, #tpu.memory_space<vmem>>) offsets(%dma_start3A_672 : memref<24xi32, #tpu.memory_space<vmem>>) semaphore(%arg11 : memref<!tpu.dma_semaphore, #tpu.memory_space<semaphore_mem>>)
    %dma_wait3A = arith.constant 0 : i32
    %dma_wait3A_676 = tpu.memref_slice %arg6[%dma_wait3A] : memref<336xi32, #tpu.memory_space<vmem>> -> memref<24xi32, #tpu.memory_space<vmem>>
    %dma_wait3A_677 = arith.constant 0 : i32
    %dma_wait3A_678 = arith.constant 0 : i32
    %dma_wait3A_679 = tpu.memref_slice %arg2[%dma_wait3A_677, %dma_wait3A_678] : memref<5512x512xf32, #tpu.memory_space<hbm>> -> memref<5512x512xf32, #tpu.memory_space<hbm>>
    tpu.wait_indirect_dma semaphore(%arg10 : memref<!tpu.dma_semaphore, #tpu.memory_space<semaphore_mem>>) src(%dma_wait3A_679 : memref<5512x512xf32, #tpu.memory_space<hbm>>) dst(%arg7 : memref<24x512xf32, #tpu.memory_space<vmem>>)
    %add3A_680 = arith.constant 0 : i32
    %add3A_681 = arith.addi %multiple_of3A, %add3A_680 : i32
    "tpu.region"() ({
      %run_scoped3A = tpu.sem_alloc : memref<!tpu.dma_semaphore, #tpu.memory_space<semaphore_mem>>
      %dma_start3A_824 = arith.constant 0 : i32
      %dma_start3A_825 = tpu.memref_slice %arg4[%add3A_681, %dma_start3A_824] : memref<10000x512xf32, #tpu.memory_space<hbm>> -> memref<24x512xf32, #tpu.memory_space<hbm>>
      %dma_start3A_826 = arith.constant 0 : i32
      %dma_start3A_827 = tpu.memref_slice %arg4[%add3A_681, %dma_start3A_826] : memref<10000x512xf32, #tpu.memory_space<hbm>> -> memref<24x512xf32, #tpu.memory_space<hbm>>
      tpu.enqueue_dma source(%arg7 : memref<24x512xf32, #tpu.memory_space<vmem>>) target(%dma_start3A_827 : memref<24x512xf32, #tpu.memory_space<hbm>>) target_semaphore(%run_scoped3A : memref<!tpu.dma_semaphore, #tpu.memory_space<semaphore_mem>>)
      %dma_wait3A_828 = arith.constant 0 : i32
      %dma_wait3A_829 = tpu.memref_slice %arg4[%add3A_681, %dma_wait3A_828] : memref<10000x512xf32, #tpu.memory_space<hbm>> -> memref<24x512xf32, #tpu.memory_space<hbm>>
      %dma_wait3A_830 = arith.constant 0 : i32
      %dma_wait3A_831 = tpu.memref_slice %arg4[%add3A_681, %dma_wait3A_830] : memref<10000x512xf32, #tpu.memory_space<hbm>> -> memref<24x512xf32, #tpu.memory_space<hbm>>
      tpu.wait_dma2 semaphore(%run_scoped3A : memref<!tpu.dma_semaphore, #tpu.memory_space<semaphore_mem>>) src(%arg7 : memref<24x512xf32, #tpu.memory_space<vmem>>) dst(%dma_wait3A_831 : memref<24x512xf32, #tpu.memory_space<hbm>>)
      tpu.yield
    }) : () -> ()
    %dma_start3A_682 = arith.constant 48 : i32
    %dma_start3A_683 = tpu.memref_slice %arg6[%dma_start3A_682] : memref<336xi32, #tpu.memory_space<vmem>> -> memref<24xi32, #tpu.memory_space<vmem>>
    %dma_start3A_684 = arith.constant 0 : i32
    %dma_start3A_685 = arith.constant 0 : i32
    %dma_start3A_686 = tpu.memref_slice %arg2[%dma_start3A_684, %dma_start3A_685] : memref<5512x512xf32, #tpu.memory_space<hbm>> -> memref<5512x512xf32, #tpu.memory_space<hbm>>
    tpu.enqueue_indirect_dma source(%dma_start3A_686 : memref<5512x512xf32, #tpu.memory_space<hbm>>) target(%arg7 : memref<24x512xf32, #tpu.memory_space<vmem>>) offsets(%dma_start3A_683 : memref<24xi32, #tpu.memory_space<vmem>>) semaphore(%arg10 : memref<!tpu.dma_semaphore, #tpu.memory_space<semaphore_mem>>)
    %dma_wait3A_687 = arith.constant 24 : i32
    %dma_wait3A_688 = tpu.memref_slice %arg6[%dma_wait3A_687] : memref<336xi32, #tpu.memory_space<vmem>> -> memref<24xi32, #tpu.memory_space<vmem>>
    %dma_wait3A_689 = arith.constant 0 : i32
    %dma_wait3A_690 = arith.constant 0 : i32
    %dma_wait3A_691 = tpu.memref_slice %arg2[%dma_wait3A_689, %dma_wait3A_690] : memref<5512x512xf32, #tpu.memory_space<hbm>> -> memref<5512x512xf32, #tpu.memory_space<hbm>>
    tpu.wait_indirect_dma semaphore(%arg11 : memref<!tpu.dma_semaphore, #tpu.memory_space<semaphore_mem>>) src(%dma_wait3A_691 : memref<5512x512xf32, #tpu.memory_space<hbm>>) dst(%arg8 : memref<24x512xf32, #tpu.memory_space<vmem>>)
    %add3A_692 = arith.constant 24 : i32
    %add3A_693 = arith.addi %multiple_of3A, %add3A_692 : i32
    "tpu.region"() ({
      %run_scoped3A = tpu.sem_alloc : memref<!tpu.dma_semaphore, #tpu.memory_space<semaphore_mem>>
      %dma_start3A_824 = arith.constant 0 : i32
      %dma_start3A_825 = tpu.memref_slice %arg4[%add3A_693, %dma_start3A_824] : memref<10000x512xf32, #tpu.memory_space<hbm>> -> memref<24x512xf32, #tpu.memory_space<hbm>>
      %dma_start3A_826 = arith.constant 0 : i32
      %dma_start3A_827 = tpu.memref_slice %arg4[%add3A_693, %dma_start3A_826] : memref<10000x512xf32, #tpu.memory_space<hbm>> -> memref<24x512xf32, #tpu.memory_space<hbm>>
      tpu.enqueue_dma source(%arg8 : memref<24x512xf32, #tpu.memory_space<vmem>>) target(%dma_start3A_827 : memref<24x512xf32, #tpu.memory_space<hbm>>) target_semaphore(%run_scoped3A : memref<!tpu.dma_semaphore, #tpu.memory_space<semaphore_mem>>)
      %dma_wait3A_828 = arith.constant 0 : i32
      %dma_wait3A_829 = tpu.memref_slice %arg4[%add3A_693, %dma_wait3A_828] : memref<10000x512xf32, #tpu.memory_space<hbm>> -> memref<24x512xf32, #tpu.memory_space<hbm>>
      %dma_wait3A_830 = arith.constant 0 : i32
      %dma_wait3A_831 = tpu.memref_slice %arg4[%add3A_693, %dma_wait3A_830] : memref<10000x512xf32, #tpu.memory_space<hbm>> -> memref<24x512xf32, #tpu.memory_space<hbm>>
      tpu.wait_dma2 semaphore(%run_scoped3A : memref<!tpu.dma_semaphore, #tpu.memory_space<semaphore_mem>>) src(%arg8 : memref<24x512xf32, #tpu.memory_space<vmem>>) dst(%dma_wait3A_831 : memref<24x512xf32, #tpu.memory_space<hbm>>)
      tpu.yield
    }) : () -> ()
    %dma_start3A_694 = arith.constant 72 : i32
    %dma_start3A_695 = tpu.memref_slice %arg6[%dma_start3A_694] : memref<336xi32, #tpu.memory_space<vmem>> -> memref<24xi32, #tpu.memory_space<vmem>>
    %dma_start3A_696 = arith.constant 0 : i32
    %dma_start3A_697 = arith.constant 0 : i32
    %dma_start3A_698 = tpu.memref_slice %arg2[%dma_start3A_696, %dma_start3A_697] : memref<5512x512xf32, #tpu.memory_space<hbm>> -> memref<5512x512xf32, #tpu.memory_space<hbm>>
    tpu.enqueue_indirect_dma source(%dma_start3A_698 : memref<5512x512xf32, #tpu.memory_space<hbm>>) target(%arg8 : memref<24x512xf32, #tpu.memory_space<vmem>>) offsets(%dma_start3A_695 : memref<24xi32, #tpu.memory_space<vmem>>) semaphore(%arg11 : memref<!tpu.dma_semaphore, #tpu.memory_space<semaphore_mem>>)
    %dma_wait3A_699 = arith.constant 48 : i32
    %dma_wait3A_700 = tpu.memref_slice %arg6[%dma_wait3A_699] : memref<336xi32, #tpu.memory_space<vmem>> -> memref<24xi32, #tpu.memory_space<vmem>>
    %dma_wait3A_701 = arith.constant 0 : i32
    %dma_wait3A_702 = arith.constant 0 : i32
    %dma_wait3A_703 = tpu.memref_slice %arg2[%dma_wait3A_701, %dma_wait3A_702] : memref<5512x512xf32, #tpu.memory_space<hbm>> -> memref<5512x512xf32, #tpu.memory_space<hbm>>
    tpu.wait_indirect_dma semaphore(%arg10 : memref<!tpu.dma_semaphore, #tpu.memory_space<semaphore_mem>>) src(%dma_wait3A_703 : memref<5512x512xf32, #tpu.memory_space<hbm>>) dst(%arg7 : memref<24x512xf32, #tpu.memory_space<vmem>>)
    %add3A_704 = arith.constant 48 : i32
    %add3A_705 = arith.addi %multiple_of3A, %add3A_704 : i32
    "tpu.region"() ({
      %run_scoped3A = tpu.sem_alloc : memref<!tpu.dma_semaphore, #tpu.memory_space<semaphore_mem>>
      %dma_start3A_824 = arith.constant 0 : i32
      %dma_start3A_825 = tpu.memref_slice %arg4[%add3A_705, %dma_start3A_824] : memref<10000x512xf32, #tpu.memory_space<hbm>> -> memref<24x512xf32, #tpu.memory_space<hbm>>
      %dma_start3A_826 = arith.constant 0 : i32
      %dma_start3A_827 = tpu.memref_slice %arg4[%add3A_705, %dma_start3A_826] : memref<10000x512xf32, #tpu.memory_space<hbm>> -> memref<24x512xf32, #tpu.memory_space<hbm>>
      tpu.enqueue_dma source(%arg7 : memref<24x512xf32, #tpu.memory_space<vmem>>) target(%dma_start3A_827 : memref<24x512xf32, #tpu.memory_space<hbm>>) target_semaphore(%run_scoped3A : memref<!tpu.dma_semaphore, #tpu.memory_space<semaphore_mem>>)
      %dma_wait3A_828 = arith.constant 0 : i32
      %dma_wait3A_829 = tpu.memref_slice %arg4[%add3A_705, %dma_wait3A_828] : memref<10000x512xf32, #tpu.memory_space<hbm>> -> memref<24x512xf32, #tpu.memory_space<hbm>>
      %dma_wait3A_830 = arith.constant 0 : i32
      %dma_wait3A_831 = tpu.memref_slice %arg4[%add3A_705, %dma_wait3A_830] : memref<10000x512xf32, #tpu.memory_space<hbm>> -> memref<24x512xf32, #tpu.memory_space<hbm>>
      tpu.wait_dma2 semaphore(%run_scoped3A : memref<!tpu.dma_semaphore, #tpu.memory_space<semaphore_mem>>) src(%arg7 : memref<24x512xf32, #tpu.memory_space<vmem>>) dst(%dma_wait3A_831 : memref<24x512xf32, #tpu.memory_space<hbm>>)
      tpu.yield
    }) : () -> ()
    %dma_start3A_706 = arith.constant 96 : i32
    %dma_start3A_707 = tpu.memref_slice %arg6[%dma_start3A_706] : memref<336xi32, #tpu.memory_space<vmem>> -> memref<24xi32, #tpu.memory_space<vmem>>
    %dma_start3A_708 = arith.constant 0 : i32
    %dma_start3A_709 = arith.constant 0 : i32
    %dma_start3A_710 = tpu.memref_slice %arg2[%dma_start3A_708, %dma_start3A_709] : memref<5512x512xf32, #tpu.memory_space<hbm>> -> memref<5512x512xf32, #tpu.memory_space<hbm>>
    tpu.enqueue_indirect_dma source(%dma_start3A_710 : memref<5512x512xf32, #tpu.memory_space<hbm>>) target(%arg7 : memref<24x512xf32, #tpu.memory_space<vmem>>) offsets(%dma_start3A_707 : memref<24xi32, #tpu.memory_space<vmem>>) semaphore(%arg10 : memref<!tpu.dma_semaphore, #tpu.memory_space<semaphore_mem>>)
    %dma_wait3A_711 = arith.constant 72 : i32
    %dma_wait3A_712 = tpu.memref_slice %arg6[%dma_wait3A_711] : memref<336xi32, #tpu.memory_space<vmem>> -> memref<24xi32, #tpu.memory_space<vmem>>
    %dma_wait3A_713 = arith.constant 0 : i32
    %dma_wait3A_714 = arith.constant 0 : i32
    %dma_wait3A_715 = tpu.memref_slice %arg2[%dma_wait3A_713, %dma_wait3A_714] : memref<5512x512xf32, #tpu.memory_space<hbm>> -> memref<5512x512xf32, #tpu.memory_space<hbm>>
    tpu.wait_indirect_dma semaphore(%arg11 : memref<!tpu.dma_semaphore, #tpu.memory_space<semaphore_mem>>) src(%dma_wait3A_715 : memref<5512x512xf32, #tpu.memory_space<hbm>>) dst(%arg8 : memref<24x512xf32, #tpu.memory_space<vmem>>)
    %add3A_716 = arith.constant 72 : i32
    %add3A_717 = arith.addi %multiple_of3A, %add3A_716 : i32
    "tpu.region"() ({
      %run_scoped3A = tpu.sem_alloc : memref<!tpu.dma_semaphore, #tpu.memory_space<semaphore_mem>>
      %dma_start3A_824 = arith.constant 0 : i32
      %dma_start3A_825 = tpu.memref_slice %arg4[%add3A_717, %dma_start3A_824] : memref<10000x512xf32, #tpu.memory_space<hbm>> -> memref<24x512xf32, #tpu.memory_space<hbm>>
      %dma_start3A_826 = arith.constant 0 : i32
      %dma_start3A_827 = tpu.memref_slice %arg4[%add3A_717, %dma_start3A_826] : memref<10000x512xf32, #tpu.memory_space<hbm>> -> memref<24x512xf32, #tpu.memory_space<hbm>>
      tpu.enqueue_dma source(%arg8 : memref<24x512xf32, #tpu.memory_space<vmem>>) target(%dma_start3A_827 : memref<24x512xf32, #tpu.memory_space<hbm>>) target_semaphore(%run_scoped3A : memref<!tpu.dma_semaphore, #tpu.memory_space<semaphore_mem>>)
      %dma_wait3A_828 = arith.constant 0 : i32
      %dma_wait3A_829 = tpu.memref_slice %arg4[%add3A_717, %dma_wait3A_828] : memref<10000x512xf32, #tpu.memory_space<hbm>> -> memref<24x512xf32, #tpu.memory_space<hbm>>
      %dma_wait3A_830 = arith.constant 0 : i32
      %dma_wait3A_831 = tpu.memref_slice %arg4[%add3A_717, %dma_wait3A_830] : memref<10000x512xf32, #tpu.memory_space<hbm>> -> memref<24x512xf32, #tpu.memory_space<hbm>>
      tpu.wait_dma2 semaphore(%run_scoped3A : memref<!tpu.dma_semaphore, #tpu.memory_space<semaphore_mem>>) src(%arg8 : memref<24x512xf32, #tpu.memory_space<vmem>>) dst(%dma_wait3A_831 : memref<24x512xf32, #tpu.memory_space<hbm>>)
      tpu.yield
    }) : () -> ()
    %dma_start3A_718 = arith.constant 120 : i32
    %dma_start3A_719 = tpu.memref_slice %arg6[%dma_start3A_718] : memref<336xi32, #tpu.memory_space<vmem>> -> memref<24xi32, #tpu.memory_space<vmem>>
    %dma_start3A_720 = arith.constant 0 : i32
    %dma_start3A_721 = arith.constant 0 : i32
    %dma_start3A_722 = tpu.memref_slice %arg2[%dma_start3A_720, %dma_start3A_721] : memref<5512x512xf32, #tpu.memory_space<hbm>> -> memref<5512x512xf32, #tpu.memory_space<hbm>>
    tpu.enqueue_indirect_dma source(%dma_start3A_722 : memref<5512x512xf32, #tpu.memory_space<hbm>>) target(%arg8 : memref<24x512xf32, #tpu.memory_space<vmem>>) offsets(%dma_start3A_719 : memref<24xi32, #tpu.memory_space<vmem>>) semaphore(%arg11 : memref<!tpu.dma_semaphore, #tpu.memory_space<semaphore_mem>>)
    %dma_wait3A_723 = arith.constant 96 : i32
    %dma_wait3A_724 = tpu.memref_slice %arg6[%dma_wait3A_723] : memref<336xi32, #tpu.memory_space<vmem>> -> memref<24xi32, #tpu.memory_space<vmem>>
    %dma_wait3A_725 = arith.constant 0 : i32
    %dma_wait3A_726 = arith.constant 0 : i32
    %dma_wait3A_727 = tpu.memref_slice %arg2[%dma_wait3A_725, %dma_wait3A_726] : memref<5512x512xf32, #tpu.memory_space<hbm>> -> memref<5512x512xf32, #tpu.memory_space<hbm>>
    tpu.wait_indirect_dma semaphore(%arg10 : memref<!tpu.dma_semaphore, #tpu.memory_space<semaphore_mem>>) src(%dma_wait3A_727 : memref<5512x512xf32, #tpu.memory_space<hbm>>) dst(%arg7 : memref<24x512xf32, #tpu.memory_space<vmem>>)
    %add3A_728 = arith.constant 96 : i32
    %add3A_729 = arith.addi %multiple_of3A, %add3A_728 : i32
    "tpu.region"() ({
      %run_scoped3A = tpu.sem_alloc : memref<!tpu.dma_semaphore, #tpu.memory_space<semaphore_mem>>
      %dma_start3A_824 = arith.constant 0 : i32
      %dma_start3A_825 = tpu.memref_slice %arg4[%add3A_729, %dma_start3A_824] : memref<10000x512xf32, #tpu.memory_space<hbm>> -> memref<24x512xf32, #tpu.memory_space<hbm>>
      %dma_start3A_826 = arith.constant 0 : i32
      %dma_start3A_827 = tpu.memref_slice %arg4[%add3A_729, %dma_start3A_826] : memref<10000x512xf32, #tpu.memory_space<hbm>> -> memref<24x512xf32, #tpu.memory_space<hbm>>
      tpu.enqueue_dma source(%arg7 : memref<24x512xf32, #tpu.memory_space<vmem>>) target(%dma_start3A_827 : memref<24x512xf32, #tpu.memory_space<hbm>>) target_semaphore(%run_scoped3A : memref<!tpu.dma_semaphore, #tpu.memory_space<semaphore_mem>>)
      %dma_wait3A_828 = arith.constant 0 : i32
      %dma_wait3A_829 = tpu.memref_slice %arg4[%add3A_729, %dma_wait3A_828] : memref<10000x512xf32, #tpu.memory_space<hbm>> -> memref<24x512xf32, #tpu.memory_space<hbm>>
      %dma_wait3A_830 = arith.constant 0 : i32
      %dma_wait3A_831 = tpu.memref_slice %arg4[%add3A_729, %dma_wait3A_830] : memref<10000x512xf32, #tpu.memory_space<hbm>> -> memref<24x512xf32, #tpu.memory_space<hbm>>
      tpu.wait_dma2 semaphore(%run_scoped3A : memref<!tpu.dma_semaphore, #tpu.memory_space<semaphore_mem>>) src(%arg7 : memref<24x512xf32, #tpu.memory_space<vmem>>) dst(%dma_wait3A_831 : memref<24x512xf32, #tpu.memory_space<hbm>>)
      tpu.yield
    }) : () -> ()
    %dma_start3A_730 = arith.constant 144 : i32
    %dma_start3A_731 = tpu.memref_slice %arg6[%dma_start3A_730] : memref<336xi32, #tpu.memory_space<vmem>> -> memref<24xi32, #tpu.memory_space<vmem>>
    %dma_start3A_732 = arith.constant 0 : i32
    %dma_start3A_733 = arith.constant 0 : i32
    %dma_start3A_734 = tpu.memref_slice %arg2[%dma_start3A_732, %dma_start3A_733] : memref<5512x512xf32, #tpu.memory_space<hbm>> -> memref<5512x512xf32, #tpu.memory_space<hbm>>
    tpu.enqueue_indirect_dma source(%dma_start3A_734 : memref<5512x512xf32, #tpu.memory_space<hbm>>) target(%arg7 : memref<24x512xf32, #tpu.memory_space<vmem>>) offsets(%dma_start3A_731 : memref<24xi32, #tpu.memory_space<vmem>>) semaphore(%arg10 : memref<!tpu.dma_semaphore, #tpu.memory_space<semaphore_mem>>)
    %dma_wait3A_735 = arith.constant 120 : i32
    %dma_wait3A_736 = tpu.memref_slice %arg6[%dma_wait3A_735] : memref<336xi32, #tpu.memory_space<vmem>> -> memref<24xi32, #tpu.memory_space<vmem>>
    %dma_wait3A_737 = arith.constant 0 : i32
    %dma_wait3A_738 = arith.constant 0 : i32
    %dma_wait3A_739 = tpu.memref_slice %arg2[%dma_wait3A_737, %dma_wait3A_738] : memref<5512x512xf32, #tpu.memory_space<hbm>> -> memref<5512x512xf32, #tpu.memory_space<hbm>>
    tpu.wait_indirect_dma semaphore(%arg11 : memref<!tpu.dma_semaphore, #tpu.memory_space<semaphore_mem>>) src(%dma_wait3A_739 : memref<5512x512xf32, #tpu.memory_space<hbm>>) dst(%arg8 : memref<24x512xf32, #tpu.memory_space<vmem>>)
    %add3A_740 = arith.constant 120 : i32
    %add3A_741 = arith.addi %multiple_of3A, %add3A_740 : i32
    "tpu.region"() ({
      %run_scoped3A = tpu.sem_alloc : memref<!tpu.dma_semaphore, #tpu.memory_space<semaphore_mem>>
      %dma_start3A_824 = arith.constant 0 : i32
      %dma_start3A_825 = tpu.memref_slice %arg4[%add3A_741, %dma_start3A_824] : memref<10000x512xf32, #tpu.memory_space<hbm>> -> memref<24x512xf32, #tpu.memory_space<hbm>>
      %dma_start3A_826 = arith.constant 0 : i32
      %dma_start3A_827 = tpu.memref_slice %arg4[%add3A_741, %dma_start3A_826] : memref<10000x512xf32, #tpu.memory_space<hbm>> -> memref<24x512xf32, #tpu.memory_space<hbm>>
      tpu.enqueue_dma source(%arg8 : memref<24x512xf32, #tpu.memory_space<vmem>>) target(%dma_start3A_827 : memref<24x512xf32, #tpu.memory_space<hbm>>) target_semaphore(%run_scoped3A : memref<!tpu.dma_semaphore, #tpu.memory_space<semaphore_mem>>)
      %dma_wait3A_828 = arith.constant 0 : i32
      %dma_wait3A_829 = tpu.memref_slice %arg4[%add3A_741, %dma_wait3A_828] : memref<10000x512xf32, #tpu.memory_space<hbm>> -> memref<24x512xf32, #tpu.memory_space<hbm>>
      %dma_wait3A_830 = arith.constant 0 : i32
      %dma_wait3A_831 = tpu.memref_slice %arg4[%add3A_741, %dma_wait3A_830] : memref<10000x512xf32, #tpu.memory_space<hbm>> -> memref<24x512xf32, #tpu.memory_space<hbm>>
      tpu.wait_dma2 semaphore(%run_scoped3A : memref<!tpu.dma_semaphore, #tpu.memory_space<semaphore_mem>>) src(%arg8 : memref<24x512xf32, #tpu.memory_space<vmem>>) dst(%dma_wait3A_831 : memref<24x512xf32, #tpu.memory_space<hbm>>)
      tpu.yield
    }) : () -> ()
    %dma_start3A_742 = arith.constant 168 : i32
    %dma_start3A_743 = tpu.memref_slice %arg6[%dma_start3A_742] : memref<336xi32, #tpu.memory_space<vmem>> -> memref<24xi32, #tpu.memory_space<vmem>>
    %dma_start3A_744 = arith.constant 0 : i32
    %dma_start3A_745 = arith.constant 0 : i32
    %dma_start3A_746 = tpu.memref_slice %arg2[%dma_start3A_744, %dma_start3A_745] : memref<5512x512xf32, #tpu.memory_space<hbm>> -> memref<5512x512xf32, #tpu.memory_space<hbm>>
    tpu.enqueue_indirect_dma source(%dma_start3A_746 : memref<5512x512xf32, #tpu.memory_space<hbm>>) target(%arg8 : memref<24x512xf32, #tpu.memory_space<vmem>>) offsets(%dma_start3A_743 : memref<24xi32, #tpu.memory_space<vmem>>) semaphore(%arg11 : memref<!tpu.dma_semaphore, #tpu.memory_space<semaphore_mem>>)
    %dma_wait3A_747 = arith.constant 144 : i32
    %dma_wait3A_748 = tpu.memref_slice %arg6[%dma_wait3A_747] : memref<336xi32, #tpu.memory_space<vmem>> -> memref<24xi32, #tpu.memory_space<vmem>>
    %dma_wait3A_749 = arith.constant 0 : i32
    %dma_wait3A_750 = arith.constant 0 : i32
    %dma_wait3A_751 = tpu.memref_slice %arg2[%dma_wait3A_749, %dma_wait3A_750] : memref<5512x512xf32, #tpu.memory_space<hbm>> -> memref<5512x512xf32, #tpu.memory_space<hbm>>
    tpu.wait_indirect_dma semaphore(%arg10 : memref<!tpu.dma_semaphore, #tpu.memory_space<semaphore_mem>>) src(%dma_wait3A_751 : memref<5512x512xf32, #tpu.memory_space<hbm>>) dst(%arg7 : memref<24x512xf32, #tpu.memory_space<vmem>>)
    %add3A_752 = arith.constant 144 : i32
    %add3A_753 = arith.addi %multiple_of3A, %add3A_752 : i32
    "tpu.region"() ({
      %run_scoped3A = tpu.sem_alloc : memref<!tpu.dma_semaphore, #tpu.memory_space<semaphore_mem>>
      %dma_start3A_824 = arith.constant 0 : i32
      %dma_start3A_825 = tpu.memref_slice %arg4[%add3A_753, %dma_start3A_824] : memref<10000x512xf32, #tpu.memory_space<hbm>> -> memref<24x512xf32, #tpu.memory_space<hbm>>
      %dma_start3A_826 = arith.constant 0 : i32
      %dma_start3A_827 = tpu.memref_slice %arg4[%add3A_753, %dma_start3A_826] : memref<10000x512xf32, #tpu.memory_space<hbm>> -> memref<24x512xf32, #tpu.memory_space<hbm>>
      tpu.enqueue_dma source(%arg7 : memref<24x512xf32, #tpu.memory_space<vmem>>) target(%dma_start3A_827 : memref<24x512xf32, #tpu.memory_space<hbm>>) target_semaphore(%run_scoped3A : memref<!tpu.dma_semaphore, #tpu.memory_space<semaphore_mem>>)
      %dma_wait3A_828 = arith.constant 0 : i32
      %dma_wait3A_829 = tpu.memref_slice %arg4[%add3A_753, %dma_wait3A_828] : memref<10000x512xf32, #tpu.memory_space<hbm>> -> memref<24x512xf32, #tpu.memory_space<hbm>>
      %dma_wait3A_830 = arith.constant 0 : i32
      %dma_wait3A_831 = tpu.memref_slice %arg4[%add3A_753, %dma_wait3A_830] : memref<10000x512xf32, #tpu.memory_space<hbm>> -> memref<24x512xf32, #tpu.memory_space<hbm>>
      tpu.wait_dma2 semaphore(%run_scoped3A : memref<!tpu.dma_semaphore, #tpu.memory_space<semaphore_mem>>) src(%arg7 : memref<24x512xf32, #tpu.memory_space<vmem>>) dst(%dma_wait3A_831 : memref<24x512xf32, #tpu.memory_space<hbm>>)
      tpu.yield
    }) : () -> ()
    %dma_start3A_754 = arith.constant 192 : i32
    %dma_start3A_755 = tpu.memref_slice %arg6[%dma_start3A_754] : memref<336xi32, #tpu.memory_space<vmem>> -> memref<24xi32, #tpu.memory_space<vmem>>
    %dma_start3A_756 = arith.constant 0 : i32
    %dma_start3A_757 = arith.constant 0 : i32
    %dma_start3A_758 = tpu.memref_slice %arg2[%dma_start3A_756, %dma_start3A_757] : memref<5512x512xf32, #tpu.memory_space<hbm>> -> memref<5512x512xf32, #tpu.memory_space<hbm>>
    tpu.enqueue_indirect_dma source(%dma_start3A_758 : memref<5512x512xf32, #tpu.memory_space<hbm>>) target(%arg7 : memref<24x512xf32, #tpu.memory_space<vmem>>) offsets(%dma_start3A_755 : memref<24xi32, #tpu.memory_space<vmem>>) semaphore(%arg10 : memref<!tpu.dma_semaphore, #tpu.memory_space<semaphore_mem>>)
    %dma_wait3A_759 = arith.constant 168 : i32
    %dma_wait3A_760 = tpu.memref_slice %arg6[%dma_wait3A_759] : memref<336xi32, #tpu.memory_space<vmem>> -> memref<24xi32, #tpu.memory_space<vmem>>
    %dma_wait3A_761 = arith.constant 0 : i32
    %dma_wait3A_762 = arith.constant 0 : i32
    %dma_wait3A_763 = tpu.memref_slice %arg2[%dma_wait3A_761, %dma_wait3A_762] : memref<5512x512xf32, #tpu.memory_space<hbm>> -> memref<5512x512xf32, #tpu.memory_space<hbm>>
    tpu.wait_indirect_dma semaphore(%arg11 : memref<!tpu.dma_semaphore, #tpu.memory_space<semaphore_mem>>) src(%dma_wait3A_763 : memref<5512x512xf32, #tpu.memory_space<hbm>>) dst(%arg8 : memref<24x512xf32, #tpu.memory_space<vmem>>)
    %add3A_764 = arith.constant 168 : i32
    %add3A_765 = arith.addi %multiple_of3A, %add3A_764 : i32
    "tpu.region"() ({
      %run_scoped3A = tpu.sem_alloc : memref<!tpu.dma_semaphore, #tpu.memory_space<semaphore_mem>>
      %dma_start3A_824 = arith.constant 0 : i32
      %dma_start3A_825 = tpu.memref_slice %arg4[%add3A_765, %dma_start3A_824] : memref<10000x512xf32, #tpu.memory_space<hbm>> -> memref<24x512xf32, #tpu.memory_space<hbm>>
      %dma_start3A_826 = arith.constant 0 : i32
      %dma_start3A_827 = tpu.memref_slice %arg4[%add3A_765, %dma_start3A_826] : memref<10000x512xf32, #tpu.memory_space<hbm>> -> memref<24x512xf32, #tpu.memory_space<hbm>>
      tpu.enqueue_dma source(%arg8 : memref<24x512xf32, #tpu.memory_space<vmem>>) target(%dma_start3A_827 : memref<24x512xf32, #tpu.memory_space<hbm>>) target_semaphore(%run_scoped3A : memref<!tpu.dma_semaphore, #tpu.memory_space<semaphore_mem>>)
      %dma_wait3A_828 = arith.constant 0 : i32
      %dma_wait3A_829 = tpu.memref_slice %arg4[%add3A_765, %dma_wait3A_828] : memref<10000x512xf32, #tpu.memory_space<hbm>> -> memref<24x512xf32, #tpu.memory_space<hbm>>
      %dma_wait3A_830 = arith.constant 0 : i32
      %dma_wait3A_831 = tpu.memref_slice %arg4[%add3A_765, %dma_wait3A_830] : memref<10000x512xf32, #tpu.memory_space<hbm>> -> memref<24x512xf32, #tpu.memory_space<hbm>>
      tpu.wait_dma2 semaphore(%run_scoped3A : memref<!tpu.dma_semaphore, #tpu.memory_space<semaphore_mem>>) src(%arg8 : memref<24x512xf32, #tpu.memory_space<vmem>>) dst(%dma_wait3A_831 : memref<24x512xf32, #tpu.memory_space<hbm>>)
      tpu.yield
    }) : () -> ()
    %dma_start3A_766 = arith.constant 216 : i32
    %dma_start3A_767 = tpu.memref_slice %arg6[%dma_start3A_766] : memref<336xi32, #tpu.memory_space<vmem>> -> memref<24xi32, #tpu.memory_space<vmem>>
    %dma_start3A_768 = arith.constant 0 : i32
    %dma_start3A_769 = arith.constant 0 : i32
    %dma_start3A_770 = tpu.memref_slice %arg2[%dma_start3A_768, %dma_start3A_769] : memref<5512x512xf32, #tpu.memory_space<hbm>> -> memref<5512x512xf32, #tpu.memory_space<hbm>>
    tpu.enqueue_indirect_dma source(%dma_start3A_770 : memref<5512x512xf32, #tpu.memory_space<hbm>>) target(%arg8 : memref<24x512xf32, #tpu.memory_space<vmem>>) offsets(%dma_start3A_767 : memref<24xi32, #tpu.memory_space<vmem>>) semaphore(%arg11 : memref<!tpu.dma_semaphore, #tpu.memory_space<semaphore_mem>>)
    %dma_wait3A_771 = arith.constant 192 : i32
    %dma_wait3A_772 = tpu.memref_slice %arg6[%dma_wait3A_771] : memref<336xi32, #tpu.memory_space<vmem>> -> memref<24xi32, #tpu.memory_space<vmem>>
    %dma_wait3A_773 = arith.constant 0 : i32
    %dma_wait3A_774 = arith.constant 0 : i32
    %dma_wait3A_775 = tpu.memref_slice %arg2[%dma_wait3A_773, %dma_wait3A_774] : memref<5512x512xf32, #tpu.memory_space<hbm>> -> memref<5512x512xf32, #tpu.memory_space<hbm>>
    tpu.wait_indirect_dma semaphore(%arg10 : memref<!tpu.dma_semaphore, #tpu.memory_space<semaphore_mem>>) src(%dma_wait3A_775 : memref<5512x512xf32, #tpu.memory_space<hbm>>) dst(%arg7 : memref<24x512xf32, #tpu.memory_space<vmem>>)
    %add3A_776 = arith.constant 192 : i32
    %add3A_777 = arith.addi %multiple_of3A, %add3A_776 : i32
    "tpu.region"() ({
      %run_scoped3A = tpu.sem_alloc : memref<!tpu.dma_semaphore, #tpu.memory_space<semaphore_mem>>
      %dma_start3A_824 = arith.constant 0 : i32
      %dma_start3A_825 = tpu.memref_slice %arg4[%add3A_777, %dma_start3A_824] : memref<10000x512xf32, #tpu.memory_space<hbm>> -> memref<24x512xf32, #tpu.memory_space<hbm>>
      %dma_start3A_826 = arith.constant 0 : i32
      %dma_start3A_827 = tpu.memref_slice %arg4[%add3A_777, %dma_start3A_826] : memref<10000x512xf32, #tpu.memory_space<hbm>> -> memref<24x512xf32, #tpu.memory_space<hbm>>
      tpu.enqueue_dma source(%arg7 : memref<24x512xf32, #tpu.memory_space<vmem>>) target(%dma_start3A_827 : memref<24x512xf32, #tpu.memory_space<hbm>>) target_semaphore(%run_scoped3A : memref<!tpu.dma_semaphore, #tpu.memory_space<semaphore_mem>>)
      %dma_wait3A_828 = arith.constant 0 : i32
      %dma_wait3A_829 = tpu.memref_slice %arg4[%add3A_777, %dma_wait3A_828] : memref<10000x512xf32, #tpu.memory_space<hbm>> -> memref<24x512xf32, #tpu.memory_space<hbm>>
      %dma_wait3A_830 = arith.constant 0 : i32
      %dma_wait3A_831 = tpu.memref_slice %arg4[%add3A_777, %dma_wait3A_830] : memref<10000x512xf32, #tpu.memory_space<hbm>> -> memref<24x512xf32, #tpu.memory_space<hbm>>
      tpu.wait_dma2 semaphore(%run_scoped3A : memref<!tpu.dma_semaphore, #tpu.memory_space<semaphore_mem>>) src(%arg7 : memref<24x512xf32, #tpu.memory_space<vmem>>) dst(%dma_wait3A_831 : memref<24x512xf32, #tpu.memory_space<hbm>>)
      tpu.yield
    }) : () -> ()
    %dma_start3A_778 = arith.constant 240 : i32
    %dma_start3A_779 = tpu.memref_slice %arg6[%dma_start3A_778] : memref<336xi32, #tpu.memory_space<vmem>> -> memref<24xi32, #tpu.memory_space<vmem>>
    %dma_start3A_780 = arith.constant 0 : i32
    %dma_start3A_781 = arith.constant 0 : i32
    %dma_start3A_782 = tpu.memref_slice %arg2[%dma_start3A_780, %dma_start3A_781] : memref<5512x512xf32, #tpu.memory_space<hbm>> -> memref<5512x512xf32, #tpu.memory_space<hbm>>
    tpu.enqueue_indirect_dma source(%dma_start3A_782 : memref<5512x512xf32, #tpu.memory_space<hbm>>) target(%arg7 : memref<24x512xf32, #tpu.memory_space<vmem>>) offsets(%dma_start3A_779 : memref<24xi32, #tpu.memory_space<vmem>>) semaphore(%arg10 : memref<!tpu.dma_semaphore, #tpu.memory_space<semaphore_mem>>)
    %dma_wait3A_783 = arith.constant 216 : i32
    %dma_wait3A_784 = tpu.memref_slice %arg6[%dma_wait3A_783] : memref<336xi32, #tpu.memory_space<vmem>> -> memref<24xi32, #tpu.memory_space<vmem>>
    %dma_wait3A_785 = arith.constant 0 : i32
    %dma_wait3A_786 = arith.constant 0 : i32
    %dma_wait3A_787 = tpu.memref_slice %arg2[%dma_wait3A_785, %dma_wait3A_786] : memref<5512x512xf32, #tpu.memory_space<hbm>> -> memref<5512x512xf32, #tpu.memory_space<hbm>>
    tpu.wait_indirect_dma semaphore(%arg11 : memref<!tpu.dma_semaphore, #tpu.memory_space<semaphore_mem>>) src(%dma_wait3A_787 : memref<5512x512xf32, #tpu.memory_space<hbm>>) dst(%arg8 : memref<24x512xf32, #tpu.memory_space<vmem>>)
    %add3A_788 = arith.constant 216 : i32
    %add3A_789 = arith.addi %multiple_of3A, %add3A_788 : i32
    "tpu.region"() ({
      %run_scoped3A = tpu.sem_alloc : memref<!tpu.dma_semaphore, #tpu.memory_space<semaphore_mem>>
      %dma_start3A_824 = arith.constant 0 : i32
      %dma_start3A_825 = tpu.memref_slice %arg4[%add3A_789, %dma_start3A_824] : memref<10000x512xf32, #tpu.memory_space<hbm>> -> memref<24x512xf32, #tpu.memory_space<hbm>>
      %dma_start3A_826 = arith.constant 0 : i32
      %dma_start3A_827 = tpu.memref_slice %arg4[%add3A_789, %dma_start3A_826] : memref<10000x512xf32, #tpu.memory_space<hbm>> -> memref<24x512xf32, #tpu.memory_space<hbm>>
      tpu.enqueue_dma source(%arg8 : memref<24x512xf32, #tpu.memory_space<vmem>>) target(%dma_start3A_827 : memref<24x512xf32, #tpu.memory_space<hbm>>) target_semaphore(%run_scoped3A : memref<!tpu.dma_semaphore, #tpu.memory_space<semaphore_mem>>)
      %dma_wait3A_828 = arith.constant 0 : i32
      %dma_wait3A_829 = tpu.memref_slice %arg4[%add3A_789, %dma_wait3A_828] : memref<10000x512xf32, #tpu.memory_space<hbm>> -> memref<24x512xf32, #tpu.memory_space<hbm>>
      %dma_wait3A_830 = arith.constant 0 : i32
      %dma_wait3A_831 = tpu.memref_slice %arg4[%add3A_789, %dma_wait3A_830] : memref<10000x512xf32, #tpu.memory_space<hbm>> -> memref<24x512xf32, #tpu.memory_space<hbm>>
      tpu.wait_dma2 semaphore(%run_scoped3A : memref<!tpu.dma_semaphore, #tpu.memory_space<semaphore_mem>>) src(%arg8 : memref<24x512xf32, #tpu.memory_space<vmem>>) dst(%dma_wait3A_831 : memref<24x512xf32, #tpu.memory_space<hbm>>)
      tpu.yield
    }) : () -> ()
    %dma_start3A_790 = arith.constant 264 : i32
    %dma_start3A_791 = tpu.memref_slice %arg6[%dma_start3A_790] : memref<336xi32, #tpu.memory_space<vmem>> -> memref<24xi32, #tpu.memory_space<vmem>>
    %dma_start3A_792 = arith.constant 0 : i32
    %dma_start3A_793 = arith.constant 0 : i32
    %dma_start3A_794 = tpu.memref_slice %arg2[%dma_start3A_792, %dma_start3A_793] : memref<5512x512xf32, #tpu.memory_space<hbm>> -> memref<5512x512xf32, #tpu.memory_space<hbm>>
    tpu.enqueue_indirect_dma source(%dma_start3A_794 : memref<5512x512xf32, #tpu.memory_space<hbm>>) target(%arg8 : memref<24x512xf32, #tpu.memory_space<vmem>>) offsets(%dma_start3A_791 : memref<24xi32, #tpu.memory_space<vmem>>) semaphore(%arg11 : memref<!tpu.dma_semaphore, #tpu.memory_space<semaphore_mem>>)
    %dma_wait3A_795 = arith.constant 240 : i32
    %dma_wait3A_796 = tpu.memref_slice %arg6[%dma_wait3A_795] : memref<336xi32, #tpu.memory_space<vmem>> -> memref<24xi32, #tpu.memory_space<vmem>>
    %dma_wait3A_797 = arith.constant 0 : i32
    %dma_wait3A_798 = arith.constant 0 : i32
    %dma_wait3A_799 = tpu.memref_slice %arg2[%dma_wait3A_797, %dma_wait3A_798] : memref<5512x512xf32, #tpu.memory_space<hbm>> -> memref<5512x512xf32, #tpu.memory_space<hbm>>
    tpu.wait_indirect_dma semaphore(%arg10 : memref<!tpu.dma_semaphore, #tpu.memory_space<semaphore_mem>>) src(%dma_wait3A_799 : memref<5512x512xf32, #tpu.memory_space<hbm>>) dst(%arg7 : memref<24x512xf32, #tpu.memory_space<vmem>>)
    %add3A_800 = arith.constant 240 : i32
    %add3A_801 = arith.addi %multiple_of3A, %add3A_800 : i32
    "tpu.region"() ({
      %run_scoped3A = tpu.sem_alloc : memref<!tpu.dma_semaphore, #tpu.memory_space<semaphore_mem>>
      %dma_start3A_824 = arith.constant 0 : i32
      %dma_start3A_825 = tpu.memref_slice %arg4[%add3A_801, %dma_start3A_824] : memref<10000x512xf32, #tpu.memory_space<hbm>> -> memref<24x512xf32, #tpu.memory_space<hbm>>
      %dma_start3A_826 = arith.constant 0 : i32
      %dma_start3A_827 = tpu.memref_slice %arg4[%add3A_801, %dma_start3A_826] : memref<10000x512xf32, #tpu.memory_space<hbm>> -> memref<24x512xf32, #tpu.memory_space<hbm>>
      tpu.enqueue_dma source(%arg7 : memref<24x512xf32, #tpu.memory_space<vmem>>) target(%dma_start3A_827 : memref<24x512xf32, #tpu.memory_space<hbm>>) target_semaphore(%run_scoped3A : memref<!tpu.dma_semaphore, #tpu.memory_space<semaphore_mem>>)
      %dma_wait3A_828 = arith.constant 0 : i32
      %dma_wait3A_829 = tpu.memref_slice %arg4[%add3A_801, %dma_wait3A_828] : memref<10000x512xf32, #tpu.memory_space<hbm>> -> memref<24x512xf32, #tpu.memory_space<hbm>>
      %dma_wait3A_830 = arith.constant 0 : i32
      %dma_wait3A_831 = tpu.memref_slice %arg4[%add3A_801, %dma_wait3A_830] : memref<10000x512xf32, #tpu.memory_space<hbm>> -> memref<24x512xf32, #tpu.memory_space<hbm>>
      tpu.wait_dma2 semaphore(%run_scoped3A : memref<!tpu.dma_semaphore, #tpu.memory_space<semaphore_mem>>) src(%arg7 : memref<24x512xf32, #tpu.memory_space<vmem>>) dst(%dma_wait3A_831 : memref<24x512xf32, #tpu.memory_space<hbm>>)
      tpu.yield
    }) : () -> ()
    %dma_start3A_802 = arith.constant 288 : i32
    %dma_start3A_803 = tpu.memref_slice %arg6[%dma_start3A_802] : memref<336xi32, #tpu.memory_space<vmem>> -> memref<24xi32, #tpu.memory_space<vmem>>
    %dma_start3A_804 = arith.constant 0 : i32
    %dma_start3A_805 = arith.constant 0 : i32
    %dma_start3A_806 = tpu.memref_slice %arg2[%dma_start3A_804, %dma_start3A_805] : memref<5512x512xf32, #tpu.memory_space<hbm>> -> memref<5512x512xf32, #tpu.memory_space<hbm>>
    tpu.enqueue_indirect_dma source(%dma_start3A_806 : memref<5512x512xf32, #tpu.memory_space<hbm>>) target(%arg7 : memref<24x512xf32, #tpu.memory_space<vmem>>) offsets(%dma_start3A_803 : memref<24xi32, #tpu.memory_space<vmem>>) semaphore(%arg10 : memref<!tpu.dma_semaphore, #tpu.memory_space<semaphore_mem>>)
    %dma_wait3A_807 = arith.constant 264 : i32
    %dma_wait3A_808 = tpu.memref_slice %arg6[%dma_wait3A_807] : memref<336xi32, #tpu.memory_space<vmem>> -> memref<24xi32, #tpu.memory_space<vmem>>
    %dma_wait3A_809 = arith.constant 0 : i32
    %dma_wait3A_810 = arith.constant 0 : i32
    %dma_wait3A_811 = tpu.memref_slice %arg2[%dma_wait3A_809, %dma_wait3A_810] : memref<5512x512xf32, #tpu.memory_space<hbm>> -> memref<5512x512xf32, #tpu.memory_space<hbm>>
    tpu.wait_indirect_dma semaphore(%arg11 : memref<!tpu.dma_semaphore, #tpu.memory_space<semaphore_mem>>) src(%dma_wait3A_811 : memref<5512x512xf32, #tpu.memory_space<hbm>>) dst(%arg8 : memref<24x512xf32, #tpu.memory_space<vmem>>)
    %add3A_812 = arith.constant 264 : i32
    %add3A_813 = arith.addi %multiple_of3A, %add3A_812 : i32
    "tpu.region"() ({
      %run_scoped3A = tpu.sem_alloc : memref<!tpu.dma_semaphore, #tpu.memory_space<semaphore_mem>>
      %dma_start3A_824 = arith.constant 0 : i32
      %dma_start3A_825 = tpu.memref_slice %arg4[%add3A_813, %dma_start3A_824] : memref<10000x512xf32, #tpu.memory_space<hbm>> -> memref<24x512xf32, #tpu.memory_space<hbm>>
      %dma_start3A_826 = arith.constant 0 : i32
      %dma_start3A_827 = tpu.memref_slice %arg4[%add3A_813, %dma_start3A_826] : memref<10000x512xf32, #tpu.memory_space<hbm>> -> memref<24x512xf32, #tpu.memory_space<hbm>>
      tpu.enqueue_dma source(%arg8 : memref<24x512xf32, #tpu.memory_space<vmem>>) target(%dma_start3A_827 : memref<24x512xf32, #tpu.memory_space<hbm>>) target_semaphore(%run_scoped3A : memref<!tpu.dma_semaphore, #tpu.memory_space<semaphore_mem>>)
      %dma_wait3A_828 = arith.constant 0 : i32
      %dma_wait3A_829 = tpu.memref_slice %arg4[%add3A_813, %dma_wait3A_828] : memref<10000x512xf32, #tpu.memory_space<hbm>> -> memref<24x512xf32, #tpu.memory_space<hbm>>
      %dma_wait3A_830 = arith.constant 0 : i32
      %dma_wait3A_831 = tpu.memref_slice %arg4[%add3A_813, %dma_wait3A_830] : memref<10000x512xf32, #tpu.memory_space<hbm>> -> memref<24x512xf32, #tpu.memory_space<hbm>>
      tpu.wait_dma2 semaphore(%run_scoped3A : memref<!tpu.dma_semaphore, #tpu.memory_space<semaphore_mem>>) src(%arg8 : memref<24x512xf32, #tpu.memory_space<vmem>>) dst(%dma_wait3A_831 : memref<24x512xf32, #tpu.memory_space<hbm>>)
      tpu.yield
    }) : () -> ()
    %dma_wait3A_814 = arith.constant 288 : i32
    %dma_wait3A_815 = tpu.memref_slice %arg6[%dma_wait3A_814] : memref<336xi32, #tpu.memory_space<vmem>> -> memref<24xi32, #tpu.memory_space<vmem>>
    %dma_wait3A_816 = arith.constant 0 : i32
    %dma_wait3A_817 = arith.constant 0 : i32
    %dma_wait3A_818 = tpu.memref_slice %arg2[%dma_wait3A_816, %dma_wait3A_817] : memref<5512x512xf32, #tpu.memory_space<hbm>> -> memref<5512x512xf32, #tpu.memory_space<hbm>>
    tpu.wait_indirect_dma semaphore(%arg10 : memref<!tpu.dma_semaphore, #tpu.memory_space<semaphore_mem>>) src(%dma_wait3A_818 : memref<5512x512xf32, #tpu.memory_space<hbm>>) dst(%arg7 : memref<24x512xf32, #tpu.memory_space<vmem>>)
    %add3A_819 = arith.constant 288 : i32
    %add3A_820 = arith.addi %multiple_of3A, %add3A_819 : i32
    "tpu.region"() ({
      %run_scoped3A = tpu.sem_alloc : memref<!tpu.dma_semaphore, #tpu.memory_space<semaphore_mem>>
      %dma_start3A_824 = arith.constant 0 : i32
      %dma_start3A_825 = tpu.memref_slice %arg4[%add3A_820, %dma_start3A_824] : memref<10000x512xf32, #tpu.memory_space<hbm>> -> memref<24x512xf32, #tpu.memory_space<hbm>>
      %dma_start3A_826 = arith.constant 0 : i32
      %dma_start3A_827 = tpu.memref_slice %arg4[%add3A_820, %dma_start3A_826] : memref<10000x512xf32, #tpu.memory_space<hbm>> -> memref<24x512xf32, #tpu.memory_space<hbm>>
      tpu.enqueue_dma source(%arg7 : memref<24x512xf32, #tpu.memory_space<vmem>>) target(%dma_start3A_827 : memref<24x512xf32, #tpu.memory_space<hbm>>) target_semaphore(%run_scoped3A : memref<!tpu.dma_semaphore, #tpu.memory_space<semaphore_mem>>)
      %dma_wait3A_828 = arith.constant 0 : i32
      %dma_wait3A_829 = tpu.memref_slice %arg4[%add3A_820, %dma_wait3A_828] : memref<10000x512xf32, #tpu.memory_space<hbm>> -> memref<24x512xf32, #tpu.memory_space<hbm>>
      %dma_wait3A_830 = arith.constant 0 : i32
      %dma_wait3A_831 = tpu.memref_slice %arg4[%add3A_820, %dma_wait3A_830] : memref<10000x512xf32, #tpu.memory_space<hbm>> -> memref<24x512xf32, #tpu.memory_space<hbm>>
      tpu.wait_dma2 semaphore(%run_scoped3A : memref<!tpu.dma_semaphore, #tpu.memory_space<semaphore_mem>>) src(%arg7 : memref<24x512xf32, #tpu.memory_space<vmem>>) dst(%dma_wait3A_831 : memref<24x512xf32, #tpu.memory_space<hbm>>)
      tpu.yield
    }) : () -> ()
    %convert_element_type3A_821 = arith.extui %eq3A_3 : i1 to i32
    %cond3A_822 = arith.constant 0 : i32
    %cond3A_823 = arith.cmpi ne, %convert_element_type3A_821, %cond3A_822 : i32
    scf.if %cond3A_823 {
      %dma_wait3A_824 = arith.constant 312 : i32
      %dma_wait3A_825 = tpu.memref_slice %arg6[%dma_wait3A_824] : memref<336xi32, #tpu.memory_space<vmem>> -> memref<16xi32, #tpu.memory_space<vmem>>
      %dma_wait3A_826 = arith.constant 0 : i32
      %dma_wait3A_827 = arith.constant 0 : i32
      %dma_wait3A_828 = tpu.memref_slice %arg2[%dma_wait3A_826, %dma_wait3A_827] : memref<5512x512xf32, #tpu.memory_space<hbm>> -> memref<5512x512xf32, #tpu.memory_space<hbm>>
      tpu.wait_indirect_dma semaphore(%arg12 : memref<!tpu.dma_semaphore, #tpu.memory_space<semaphore_mem>>) src(%dma_wait3A_828 : memref<5512x512xf32, #tpu.memory_space<hbm>>) dst(%arg9 : memref<16x512xf32, #tpu.memory_space<vmem>>)
      %add3A_829 = arith.constant 312 : i32
      %add3A_830 = arith.addi %multiple_of3A, %add3A_829 : i32
      "tpu.region"() ({
        %run_scoped3A = tpu.sem_alloc : memref<!tpu.dma_semaphore, #tpu.memory_space<semaphore_mem>>
        %dma_start3A_831 = arith.constant 0 : i32
        %dma_start3A_832 = tpu.memref_slice %arg4[%add3A_830, %dma_start3A_831] : memref<10000x512xf32, #tpu.memory_space<hbm>> -> memref<16x512xf32, #tpu.memory_space<hbm>>
        %dma_start3A_833 = arith.constant 0 : i32
        %dma_start3A_834 = tpu.memref_slice %arg4[%add3A_830, %dma_start3A_833] : memref<10000x512xf32, #tpu.memory_space<hbm>> -> memref<16x512xf32, #tpu.memory_space<hbm>>
        tpu.enqueue_dma source(%arg9 : memref<16x512xf32, #tpu.memory_space<vmem>>) target(%dma_start3A_834 : memref<16x512xf32, #tpu.memory_space<hbm>>) target_semaphore(%run_scoped3A : memref<!tpu.dma_semaphore, #tpu.memory_space<semaphore_mem>>)
        %dma_wait3A_835 = arith.constant 0 : i32
        %dma_wait3A_836 = tpu.memref_slice %arg4[%add3A_830, %dma_wait3A_835] : memref<10000x512xf32, #tpu.memory_space<hbm>> -> memref<16x512xf32, #tpu.memory_space<hbm>>
        %dma_wait3A_837 = arith.constant 0 : i32
        %dma_wait3A_838 = tpu.memref_slice %arg4[%add3A_830, %dma_wait3A_837] : memref<10000x512xf32, #tpu.memory_space<hbm>> -> memref<16x512xf32, #tpu.memory_space<hbm>>
        tpu.wait_dma2 semaphore(%run_scoped3A : memref<!tpu.dma_semaphore, #tpu.memory_space<semaphore_mem>>) src(%arg9 : memref<16x512xf32, #tpu.memory_space<vmem>>) dst(%dma_wait3A_838 : memref<16x512xf32, #tpu.memory_space<hbm>>)
        tpu.yield
      }) : () -> ()
    } else {
    }
    "tpu.trace_stop"() : () -> ()
    return
  }
}

module attributes {stable_mosaic.version = 14 : i64} {
  func.func @_copy_body(%arg0: i32, %arg1: memref<200x10000xf32, #tpu.memory_space<vmem>>, %arg2: memref<200x10000xf32, #tpu.memory_space<vmem>>) attributes {dimension_semantics = [#tpu.dimension_semantics<arbitrary>], iteration_bounds = array<i64: 50>, scalar_prefetch = 0 : i64, scratch_operands = 0 : i64, tpu.core_type = #tpu.core_type<tc>, window_params = [{transform_indices = @transform_0, window_bounds = array<i64: 200, 10000>}, {transform_indices = @transform_1, window_bounds = array<i64: 200, 10000>}]} {
    %get3A = arith.constant 0 : index
    %get3A_0 = arith.constant 0 : index
    %get3A_1 = vector.load %arg1[%get3A, %get3A_0] : memref<200x10000xf32, #tpu.memory_space<vmem>>, vector<200x10000xf32>
    %swap3A = arith.constant 0 : index
    %swap3A_2 = arith.constant 0 : index
    %swap3A_3 = vector.load %arg2[%swap3A, %swap3A_2] : memref<200x10000xf32, #tpu.memory_space<vmem>>, vector<200x10000xf32>
    tpu.vector_store %arg2[%swap3A, %swap3A_2], %get3A_1 {strides = array<i32>} : memref<200x10000xf32, #tpu.memory_space<vmem>>, vector<200x10000xf32>,
    return
  }
  func.func @transform_0(%arg0: i32) -> (i32, i32) {
    %c0_i32 = arith.constant 0 : i32
    %c0_i32_0 = arith.constant 0 : i32
    return %arg0, %c0_i32 : i32, i32
  }
  func.func @transform_1(%arg0: i32) -> (i32, i32) {
    %c0_i32 = arith.constant 0 : i32
    %c0_i32_0 = arith.constant 0 : i32
    return %arg0, %c0_i32 : i32, i32
  }
}

</mosaic_0001>

<sc_bundles>
// kernel: kernel.4.cloned.1.call-start
scs
__scs_entry_jumppad:
0x0: {  	(pc) =	sbr.rel $0x88, $3  }
0x1: {  	(tag) =	ssettag $0x0;
	lr =	simm.s32 $0x1  }
0x2: {  	[smem:$0x3F9E] =	sst lr;
	_ =	strace $0xD0000000  }
0x3: {  	_ = 	snop  }
0x4: {  	_ = 	snop  }
0x5: {  	_ = 	snop  }
0x6: {  	_ = 	snop  }
0x7: {  	_ = 	snop  }
__scs_overlays_trampoline_lowered:
0x8: {  	[smem:$0x3FAD] =	sst s0  }
0x9: {  	[smem:$0x3FAE] =	sst s1  }
0xa: {  	[smem:$0x3FAF] =	sst s2  }
0xb: {  	[smem:$0x3FB0] =	sst s3  }
0xc: {  	[smem:$0x3FB1] =	sst s4  }
0xd: {  	[smem:$0x3FB2] =	sst s5  }
0xe: {  	[smem:$0x3FB3] =	sst s6  }
0xf: {  	[smem:$0x3FB4] =	sst s7  }
0x10: {  	[smem:$0x3FB5] =	sst s8  }
0x11: {  	[smem:$0x3FB6] =	sst s9;
	s0 =	simm.s32 @!p0 $0x0  }
0x12: {  	s1 =	sld [smem:$0x3F9C];
	s0 =	simm.s32 @p0 $0x1  }
0x13: {  	[smem:$0x3FB7] =	sst s0;
	s0 =	simm.s32 @!p1 $0x0  }
0x14: {  	s2 =	sld [smem:$0x3F9B];
	s0 =	simm.s32 @p1 $0x1  }
0x15: {  	[smem:$0x3FB8] =	sst s0;
	s0 =	simm.s32 @!p2 $0x0  }
0x16: {  	s3 =	sld [smem:$0x3FDB];
	s0 =	simm.s32 @p2 $0x1  }
0x17: {  	s4 =	simm.s32 $0x1BF5;
	[smem:$0x3FBA] =	sst s0  }
0x18: {  	s0 =	sld [smem:$0x3F9D];
	_ =	swait.ge [sflag:s4], $0x0  }
0x19: {  	s7 =	sld [smem:$0x3F9E]  }
0x1a: {  	s8 =	sadd.s32 $0xFFFFE003, lr  }
0x1b: {  	s9 =	sadd.s32 $0xFFFFFEF7, lr;
	s5 =	simm.s32 $0xFFFFFFFF;
	p2 =	slt.u32 s8, $0xFFFFF086  }
0x1c: {  	p1 =	slt.u32 s9, $0xF7A;
	s5 =	simm.s32 @!p2 $0x0  }
0x1d: {  	s5 =	simm.s32 @p1 $0x1;
	p0 =	seq.s32 s7, s2  }
0x1e: {  	s7 =	smul.u32 @!p0 $0xF7A, s2;
	p2 =	seq.s32 @!p0 s5, $0x0  }
0x1f: {  	s9 =	smul.u32 $0xF7A, s1;
	s8 =	simm.s32 @!p0 $0x1BF5;
	p2 =	por !p2, p0  }
0x20: {  	[sflag:s8] =	ssyncset.s32 @!p0 $0xFFFFF086;
	s6 =	sadd.s32 @!p0 s3, s7;
	s7 =	simm.s32 @!p0 $0x108  }
0x21: {  	s3 =	sadd.s32 s3, s9;
	s6 =	sadd.s32 @!p0 $0x88, s6;
	s7 =	simm.s32 @p2 $0x1082  }
0x22: {  	[simem:s7], [sflag:s8] =	dma.local @!p0 [hbm:s6], $0xF7A  }
0x23: {  	s9 =	sor.u32 $0xD0000000, s2;
	s6 =	simm.s32 $0x108;
	_ =	swait.ge @!p0 [sflag:s8], $0x0  }
0x24: {  	s3 =	sadd.s32 $0x88, s3;
	s6 =	simm.s32 @!p1 $0x1082;
	[sflag:s4] =	ssyncset.s32 $0xFFFFF086  }
0x25: {  	[simem:s6], [sflag:s4] =	dma.local [hbm:s3], $0xF7A  }
0x26: {  	[smem:$0x3F9E] =	sst s1;
	(tag) =	ssettag s2;
	_ =	strace s9  }
0x27: {  	s1 =	sld [smem:$0x3FAE]  }
0x28: {  	s2 =	sld [smem:$0x3FAF]  }
0x29: {  	s4 =	sld [smem:$0x3FB1]  }
0x2a: {  	p0 =	seq.s32 s5, $0x0;
	s5 =	sld [smem:$0x3FB2]  }
0x2b: {  	s6 =	sld [smem:$0x3FB3]  }
0x2c: {  	s7 =	sld [smem:$0x3FB4]  }
0x2d: {  	s3 =	simm.s32 $0x108;
	s8 =	sld [smem:$0x3FB5]  }
0x2e: {  	s3 =	simm.s32 @!p0 $0x1082;
	s9 =	sld [smem:$0x3FB6]  }
0x2f: {  	lr =	sadd.s32 s0, s3;
	s0 =	sld [smem:$0x3FAD]  }
0x30: {  	s3 =	sld [smem:$0x3FB0]  }
0x31: {  	[smem:$0x3FB9] =	sst s10  }
0x32: {  	s10 =	sld [smem:$0x3FB7];
	_ =	sdelay $0x3  }
0x33: {  	p0 =	seq.s32 s10, $0x1;
	s10 =	sld [smem:$0x3FB9];
	_ =	sdelay $0x3  }
0x34: {  	[smem:$0x3FB9] =	sst s10  }
0x35: {  	s10 =	sld [smem:$0x3FB8];
	_ =	sdelay $0x3  }
0x36: {  	p1 =	seq.s32 s10, $0x1;
	s10 =	sld [smem:$0x3FB9];
	_ =	sdelay $0x3  }
0x37: {  	[smem:$0x3FB9] =	sst s10  }
0x38: {  	s10 =	sld [smem:$0x3FBA]  }
0x39: {  	_ = 	snop;
	(pc) =	sbr.ind lr, $3  }
0x3a: {  	_ = 	snop  }
0x3b: {  	_ = 	snop  }
0x3c: {  	p2 =	seq.s32 s10, $0x1;
	s10 =	sld [smem:$0x3FB9]  }
0x3d: {  	_ =	shalt  }
0x3e: {  	_ =	shalt  }
0x3f: {  	_ =	shalt  }
0x40: {  	_ =	shalt  }
0x41: {  	_ =	shalt  }
0x42: {  	_ =	shalt  }
0x43: {  	_ =	shalt  }
0x44: {  	_ =	shalt  }
0x45: {  	_ =	shalt  }
0x46: {  	_ =	shalt  }
0x47: {  	_ =	shalt  }
0x48: {  	_ =	shalt  }
0x49: {  	_ =	shalt  }
0x4a: {  	_ =	shalt  }
0x4b: {  	_ =	shalt  }
0x4c: {  	_ =	shalt  }
0x4d: {  	_ =	shalt  }
0x4e: {  	_ =	shalt  }
0x4f: {  	_ =	shalt  }
0x50: {  	_ =	shalt  }
0x51: {  	_ =	shalt  }
0x52: {  	_ =	shalt  }
0x53: {  	_ =	shalt  }
0x54: {  	_ =	shalt  }
0x55: {  	_ =	shalt  }
0x56: {  	_ =	shalt  }
0x57: {  	_ =	shalt  }
0x58: {  	_ =	shalt  }
0x59: {  	_ =	shalt  }
0x5a: {  	_ =	shalt  }
0x5b: {  	_ =	shalt  }
0x5c: {  	_ =	shalt  }
0x5d: {  	_ =	shalt  }
0x5e: {  	_ =	shalt  }
0x5f: {  	_ =	shalt  }
0x60: {  	_ =	shalt  }
0x61: {  	_ =	shalt  }
0x62: {  	_ =	shalt  }
0x63: {  	_ =	shalt  }
0x64: {  	_ =	shalt  }
0x65: {  	_ =	shalt  }
0x66: {  	_ =	shalt  }
0x67: {  	_ =	shalt  }
0x68: {  	_ =	shalt  }
0x69: {  	_ =	shalt  }
0x6a: {  	_ =	shalt  }
0x6b: {  	_ =	shalt  }
0x6c: {  	_ =	shalt  }
0x6d: {  	_ =	shalt  }
0x6e: {  	_ =	shalt  }
0x6f: {  	_ =	shalt  }
0x70: {  	_ =	shalt  }
0x71: {  	_ =	shalt  }
0x72: {  	_ =	shalt  }
0x73: {  	_ =	shalt  }
0x74: {  	_ =	shalt  }
0x75: {  	_ =	shalt  }
0x76: {  	_ =	shalt  }
0x77: {  	_ =	shalt  }
0x78: {  	_ =	shalt  }
0x79: {  	_ =	shalt  }
0x7a: {  	_ =	shalt  }
0x7b: {  	_ =	shalt  }
0x7c: {  	_ =	shalt  }
0x7d: {  	_ =	shalt  }
0x7e: {  	_ =	shalt  }
0x7f: {  	_ =	shalt  }
0x80: {  	_ =	shalt  }
0x81: {  	_ =	shalt  }
0x82: {  	_ =	shalt  }
0x83: {  	_ =	shalt  }
0x84: {  	_ =	shalt  }
0x85: {  	_ =	shalt  }
0x86: {  	_ =	shalt  }
0x87: {  	_ =	shalt  }
.Lfunc_end0:
.L_simem_size_0:
called_computation_lowered:
.L_overlay_start_0:
0x88: {  	s2 =	sld [smem:$0x3FD9]  }
0x89: {  	s3 =	sld [smem:$0x3FFE];
	_ =	sdelay $0x1  }
0x8a: {  	s1 =	srdreg.scid  }
0x8b: {  	s0 =	sand.u32 $0x1, s1  }
0x8c: {  	s14 =	sshll.u32 s0, $0xA;
	s2 =	sadd.s32 s3, s2  }
0x8d: {  	s2 =	sadd.s32 s2, s14  }
0x8e: {  	[smem:$0x3FC5] =	sst s2  }
0x8f: {  	_ = 	snop  }
0x90: {  	s2 =	sld [smem:$0x3FD0];
	_ =	sdelay $0x2  }
0x91: {  	s15 =	simm.s32 $0xA;
	s4 =	simm.s32 $0x10  }
0x92: {  	[smem:s4], [sflag:s15] =	dma.local [hbm:s2], $0x1  }
0x93: {  	_ =	swait.eq [sflag:s15], $0x1  }
0x94: {  	[sflag:s15] =	ssyncset.done $0x0  }
0x95: {  	[sflag:s15] =	ssyncadd.s32 $0xFFFFFFFF  }
0x96: {  	s16 =	sld [smem:$0x10];
	(tm) =	ssettm $0x1  }
0x97: {  	s17 =	sld [smem:$0x3FFB];
	_ =	sdelay $0x3  }
0x98: {  	_ =	strace s17  }
0x99: {  	s3 =	sld [smem:$0x3FFC];
	_ =	sdelay $0x3  }
0x9a: {  	_ =	strace s3  }
0x9b: {  	s3 =	sld [smem:$0x3FFD];
	_ =	sdelay $0x3  }
0x9c: {  	_ =	strace s3  }
0x9d: {  	_ =	strace $0x8FFFFFFF  }
0x9e: {  	s18 =	sld [smem:$0x3FDB];
	_ =	sdelay $0x1  }
0x9f: {  	s19 =	simm.s32 $_scs_section_size  }
0xa0: {  	s5 =	simm.s32 $_size__tile_overlayer_lowered;
	s6 =	simm.s32 $_tile_overlayer_lowered  }
0xa1: {  	s22 =	simm.s32 $0x1BFF;
	s21 =	sshll.u32 s6, $0x1;
	s3 =	sadd.s32 s19, s18  }
0xa2: {  	s7 =	simm.s32 $0x0;
	s20 =	sshll.u32 s5, $0x1;
	s5 =	sadd.s32 s21, s3  }
0xa3: {  	[timem:s7], [sflag:s22] =	dma.local [hbm:s5], s20  }
0xa4: {  	_ =	swait.ge [sflag:s22], s20  }
0xa5: {  	s4 =	ssub.s32 $0x0, s20;
	[sflag:s22] =	ssyncset.done $0x0  }
0xa6: {  	[sflag:s22] =	ssyncadd.s32 s4;
	_ =	sdelay $0x1  }
0xa7: {  	s23 =	simm.s32 $0x1B8B  }
0xa8: {  	_ =	swait.ge [sflag:s23], $0x1  }
0xa9: {  	[sflag:s23] =	ssyncset.done $0x0  }
0xaa: {  	s25 =	simm.s32 $0x1B8E;
	s24 =	sld [smem:$0x3FFE];
	[sflag:s23] =	ssyncadd.s32 $0xFFFFFFFF  }
0xab: {  	s26 =	simm.s32 $execute0_lowered;
	[smem:$0x3FD2] =	sst s25  }
0xac: {  	s5 =	sshll.u32 s26, $0x1;
	_ =	strace $0x80000046;
	[dreg:$0x1] =	wrdreg $0xFFFFFFFF  }
0xad: {  	s28 =	simm.s32 $_size_execute0_lowered;
	s3 =	sadd.s32 s3, s5;
	[dreg:$0x0] =	wrdreg $0x0  }
0xae: {  	s5 =	sshll.u32 s28, $0x1;
	[dreg:$0x2] =	wrdreg s3  }
0xaf: {  	[dreg:$0x3] =	wrdreg s5  }
0xb0: {  	[dreg:$0x4] =	wrdreg $0xC0  }
0xb1: {  	_ =	task [dreg:s7], $0x5FFFF  }
0xb2: {  	[dreg:$0x1] =	wrdreg $0xFFFFFFFF  }
0xb3: {  	[dreg:$0x0] =	wrdreg $0x60  }
0xb4: {  	[dreg:$0x2] =	wrdreg s24  }
0xb5: {  	[dreg:$0x3] =	wrdreg s16  }
0xb6: {  	[dreg:$0x4] =	wrdreg $0x9  }
0xb7: {  	_ =	task.clear_ibuf [dreg:s7], $0x5FFFF;
	_ =	strace $0x90000046  }
0xb8: {  	s29 =	simm.s32 $0x9;
	_ =	strace $0x8000004B  }
0xb9: {  	_ =	swait.ge [sflag:s29], $0x1  }
0xba: {  	[sflag:s29] =	ssyncadd.s32 $0xFFFFFFFF  }
0xbb: {  	_ =	strace $0x9000004B  }
0xbc: {  	_ =	sfence  }
0xbd: {  	s30 =	sld [smem:$0x0];
	_ =	sdelay $0x2  }
0xbe: {  	s31 =	sshll.u32 s1, $0xD;
	s1 =	sshrl.u32 s1, $0x2  }
0xbf: {  	s3 =	sand.u32 $0x4000, s31;
	s1 =	sadd.s32 s1, s30  }
0xc0: {  	s0 =	sor.u32 s3, s0;
	s1 =	sshll.u32 s1, $0x11  }
0xc1: {  	s0 =	sor.u32 s1, s0  }
0xc2: {  	s0 =	sadd.s32 $0x8F2B, s0  }
0xc3: {  	[sflag:s0] =	ssyncadd.remote.s32 $0x1  }
0xc4: {  	_ =	sfence.sel $0xFFFF  }
0xc5: {  	[dreg:$0x0] =	wrdreg $0xFFFFFFFF;
	(pc) =	sbr.abs _section_cstart, $3  }
0xc6: {  	[dreg:$0x1] =	wrdreg $0xFFFFFFFF  }
0xc7: {  	_ =	task.clear_ibuf [dreg:s7], $0x2FFFF;
	_ =	strace $0x9FFFFFFF  }
0xc8: {  	(tm) =	ssettm $0x7FFFFFFF  }
0xc9: {  	_ =	shalt  }
tec
execute0_lowered:
.L_overlay_start_1:
0x0: {  	(tag) =	ssettag $0x1  }
0x1: {  	s0 =	srdreg.scid  }
0x2: {  	s1 =	stileid.u32;
	s7 =	rddreg [dreg:$0x0];
	s2 =	simm.s32 $0x0  }
0x3: {  	s28 =	simm.s32 $0x2A00;
	s29 =	simm.s32 $0x3200;
	s30 =	simm.s32 $0x3A00  }
0x4: {  	s31 =	simm.s32 $0x4200;
	s17 =	sshll.u32 s1, $0x1;
	s1 =	rddreg [dreg:$0x1]  }
0x5: {  	s4 =	sand.u32 $0x1, s0;
	[smem:$0x7FF] =	sst s2;
	s10 =	sadd.s32 $0x400, s7  }
0x6: {  	s0 =	sor.u32 s4, s17;
	_ =	strace $0x80000047;
	s4 =	ssub.s32 $0x2, s4  }
0x7: {  	[dreg:$0x3] =	wrdreg s10;
	s10 =	simm.s32 $0x7200;
	s6 =	sshll.u32 s0, $0x4  }
0x8: {  	v0 =	vlaneseq.u32;
	vm0 =	vmmov $0xffff;
	p0 =	seq.s32 s0, $0x1F;
	s16 =	smul.u32 $0x27000, s0;
	s3 =	sadd.s32 $0x10, s6  }
0x9: {  	v1 =	vadd.s32 $0x1388, v0;
	v25 =	vshrl.u32 v0, $0x3;
	v24 =	vand.u32 $0x7, v0;
	s5 =	sadd.s32 $0x20, s6;
	s18 =	sadd.s32 $0x30, s6;
	s8 =	sadd.s32 $0x40, s6  }
0xa: {  	v26 =	vor.u32 $0x8, v0;
	v25 =	vmul.u32 $0x8, v25;
	v1 =	vadd.s32 s6, v1;
	s9 =	sadd.s32 $0x50, s6;
	s20 =	sadd.s32 $0x60, s6;
	s21 =	sadd.s32 $0x70, s6  }
0xb: {  	s22 =	sadd.s32 $0x80, s6;
	s23 =	sadd.s32 $0x90, s6;
	s24 =	sadd.s32 $0xA0, s6;
	v2 =	vor.u32 s3, v0;
	v3 =	vor.u32 s5, v0;
	v4 =	vor.u32 s18, v0  }
0xc: {  	s11 =	sadd.s32 $0xB0, s6;
	s25 =	sadd.s32 $0xC0, s6;
	s12 =	sadd.s32 $0xD0, s6;
	v5 =	vor.u32 s8, v0;
	v6 =	vor.u32 s9, v0;
	v7 =	vor.u32 s20, v0  }
0xd: {  	s13 =	sadd.s32 $0xE0, s6;
	s14 =	sadd.s32 $0xF0, s6;
	s15 =	sadd.s32 $0x100, s6;
	v8 =	vor.u32 s21, v0;
	v9 =	vor.u32 s22, v0;
	v10 =	vor.u32 s23, v0  }
0xe: {  	s26 =	sadd.s32 $0x120, s6;
	s17 =	sadd.s32 $0x130, s6;
	s5 =	smul.u32 $0x138, s0;
	v11 =	vor.u32 s24, v0;
	v12 =	vor.u32 s11, v0;
	v13 =	vor.u32 s25, v0  }
0xf: {  	s9 =	simm.s32 $0x148;
	s11 =	sadd.s32 $0x110, s6;
	s18 =	smul.u32 $0x4E00, s0;
	v14 =	vor.u32 s12, v0;
	v15 =	vor.u32 s13, v0;
	v16 =	vor.u32 s14, v0  }
0x10: {  	s8 =	sadd.s32 $0x140, s6;
	s16 =	sshrl.u32 s16, $0x3;
	v17 =	vor.u32 s15, v0;
	v19 =	vor.u32 s26, v0;
	v20 =	vor.u32 s17, v0;
	s9 =	simm.s32 @!p0 $0x138  }
0x11: {  	v2 =	vand.u32 $0x1FF, v2;
	v3 =	vand.u32 $0x1FF, v3;
	v4 =	vand.u32 $0x1FF, v4;
	s6 =	sadd.s32 s5, s9;
	s9 =	sadd.s32 s1, s16;
	s16 =	sadd.s32 s1, s18  }
0x12: {  	s19 =	sshrl.u32 s4, $0x1;
	v5 =	vand.u32 $0x1FF, v5;
	v6 =	vand.u32 $0x1FF, v6;
	v7 =	vand.u32 $0x1FF, v7;
	[dreg:$0x4] =	wrdreg s16;
	s18 =	sadd.s32 $0x600, s9  }
0x13: {  	s4 =	ssub.s32 s4, s19;
	v8 =	vand.u32 $0x1FF, v8;
	v9 =	vand.u32 $0x1FF, v9;
	v10 =	vand.u32 $0x1FF, v10;
	s19 =	sadd.s32 $0xC00, s9;
	[dreg:$0x5] =	wrdreg s18  }
0x14: {  	s3 =	sadd.s32 $0xA00, s7;
	v11 =	vand.u32 $0x1FF, v11;
	v12 =	vand.u32 $0x1FF, v12;
	v13 =	vand.u32 $0x1FF, v13;
	s20 =	sadd.s32 $0x1200, s9;
	[dreg:$0x6] =	wrdreg s19  }
0x15: {  	s7 =	sadd.s32 $0xB00, s7;
	v14 =	vand.u32 $0x1FF, v14;
	v15 =	vand.u32 $0x1FF, v15;
	v16 =	vand.u32 $0x1FF, v16;
	s21 =	sadd.s32 $0x1800, s9;
	[dreg:$0x7] =	wrdreg s20  }
0x16: {  	s12 =	simm.s32 $0x2;
	v18 =	vor.u32 s11, v0;
	v17 =	vand.u32 $0x1FF, v17;
	v19 =	vand.u32 $0x1FF, v19;
	s22 =	sadd.s32 $0x1E00, s9;
	[dreg:$0x8] =	wrdreg s21  }
0x17: {  	s13 =	simm.s32 $0x0;
	v20 =	vand.u32 $0x1FF, v20;
	v21 =	vor.u32 s8, v0;
	v2 =	vadd.s32 $0x1388, v2;
	s23 =	sadd.s32 $0x2400, s9;
	[dreg:$0x9] =	wrdreg s22  }
0x18: {  	p0 =	sne.s32 s0, $0x1F;
	v3 =	vadd.s32 $0x1388, v3;
	v4 =	vadd.s32 $0x1388, v4;
	v5 =	vadd.s32 $0x1388, v5;
	s24 =	sadd.s32 $0x2A00, s9;
	[dreg:$0xa] =	wrdreg s23  }
0x19: {  	s0 =	simm.s32 $0x5200;
	v6 =	vadd.s32 $0x1388, v6;
	v7 =	vadd.s32 $0x1388, v7;
	v8 =	vadd.s32 $0x1388, v8;
	s25 =	sadd.s32 $0x3000, s9;
	[dreg:$0xb] =	wrdreg s24  }
0x1a: {  	s8 =	simm.s32 $0x6200;
	v9 =	vadd.s32 $0x1388, v9;
	v10 =	vadd.s32 $0x1388, v10;
	v11 =	vadd.s32 $0x1388, v11;
	s26 =	sadd.s32 $0x3600, s9;
	[dreg:$0xc] =	wrdreg s25  }
.Ltmp0:
0x1b: {  	s11 =	simm.s32 $0x7A00;
	v12 =	vadd.s32 $0x1388, v12;
	v13 =	vadd.s32 $0x1388, v13;
	v14 =	vadd.s32 $0x1388, v14;
	[dreg:$0xd] =	wrdreg s26;
	(pc) =	sbr.rel .LBB2_1-.Ltmp0, $4  }
0x1c: {  	v15 =	vadd.s32 $0x1388, v15;
	v16 =	vadd.s32 $0x1388, v16;
	v18 =	vand.u32 $0x1FF, v18;
	s18 =	sadd.s32 $0x3C00, s9;
	s19 =	sadd.s32 $0x4200, s9;
	s20 =	sadd.s32 $0x4800, s9  }
0x1d: {  	v17 =	vadd.s32 $0x1388, v17;
	v19 =	vadd.s32 $0x1388, v19;
	v20 =	vadd.s32 $0x1388, v20;
	s21 =	sadd.s32 $0x9C000, s1;
	s22 =	smax.u32 s4, $0x1;
	s23 =	simm.s32 $0x4  }
0x1e: {  	v21 =	vand.u32 $0x1FF, v21;
	v22 =	vmov s5;
	vm1 =	vmmov @!p0 $0xffff;
	s24 =	simm.s32 $0x1;
	s25 =	simm.s32 $0x2080;
	s26 =	simm.s32 $0x2200  }
0x1f: {  	v18 =	vadd.s32 $0x1388, v18;
	v21 =	vadd.s32 $0x1388, v21;
	v23 =	vmov s6;
	s1 =	simm.s32 $0x4A00;
	s4 =	simm.s32 $0x5A00;
	s9 =	simm.s32 $0x6A00  }
.LBB2_3:
0x20: {  	s15 =	smov.u32 s14  }
.LBB2_7:
0x21: {  	vm2 =	vne.s32 v27, v28;
	vm3 =	vge.s32 v27, v22  }
0x22: {  	vm2 =	vmand vm3, vm2;
	vm3 =	vlt.s32 v27, v23  }
0x23: {  	vm2 =	vmand vm3, vm2  }
0x24: {  	v27 =	vsub.s32 v27, v22;
	_ =	sdelay $0x1  }
0x25: {  	s15 =	sadd.s32 @p1 $0x10, s15  }
0x26: {  	s14 =	smov.u32 @p1 s15  }
0x27: {  	v63 =	vor.u32 s14, v0  }
0x28: {  	[tilespmem:v27+s25+$0x0] =	vst.idx.msk vm2, v63  }
.LBB2_8:
0x29: {  	_ =	strace $0x90000049  }
0x2a: {  	_ =	strace $0x8000004A  }
0x2b: {  	v27 =	vld [tilespmem:$0x2080];
	_ =	sdelay $0x4  }
0x2c: {  	v28 =	vshll.u32 v27, $0x2  }
0x2d: {  	v27 =	vand.u32 $0x7, v27;
	v28 =	vand.u32 $0xFFFFFFE0, v28  }
0x2e: {  	v27 =	vor.u32 v27, v28  }
0x2f: {  	v28 =	vperm.xlane v27, v24;
	_ =	sdelay $0x1  }
0x30: {  	v28 =	vadd.s32 v25, v28;
	_ =	sdelay $0x1  }
0x31: {  	v27 =	vperm.xlane v27, v26;
	_ =	sdelay $0x1  }
0x32: {  	v27 =	vadd.s32 v25, v27  }
0x33: {  	[tilespmem:s26], [sflag:$0x1] =	stream.indirect_vreg.gather [hbm4b:s3+s2], $0x80, v28, vm0, $0x2000b8;
	[tilespmem:$0xA200] =	vst v63  }
0x34: {  	_ = 	snop  }
0x35: {  	[tilespmem:s28], [sflag:$0x1] =	stream.indirect_vreg.gather [hbm4b:s7+s2], $0x80, v28, vm0, $0x2000b8;
	[tilespmem:$0xA200] =	vst v63  }
0x36: {  	_ = 	snop  }
0x37: {  	[tilespmem:s29], [sflag:$0x1] =	stream.indirect_vreg.gather [hbm4b:s3+s2], $0x80, v27, vm0, $0x2000b8;
	[tilespmem:$0xA200] =	vst v63  }
0x38: {  	_ = 	snop  }
0x39: {  	[tilespmem:s30], [sflag:$0x1] =	stream.indirect_vreg.gather [hbm4b:s7+s2], $0x80, v27, vm0, $0x2000b8;
	[tilespmem:$0xA200] =	vst v63  }
0x3a: {  	v27 =	vld.msk [tilespmem:$0x2090], $0xff;
	_ =	sdelay $0x4  }
0x3b: {  	v39 =	vshll.u32 v27, $0x2  }
0x3c: {  	v27 =	vand.u32 $0x7, v27;
	v28 =	vand.u32 $0xFFFFFFE0, v39  }
0x3d: {  	v27 =	vor.u32 v27, v28  }
0x3e: {  	v27 =	vperm.xlane v27, v24;
	_ =	sdelay $0x1  }
0x3f: {  	v27 =	vadd.s32 v25, v27;
	_ =	sdelay $0x4  }
0x40: {  	[tilespmem:s31], [sflag:$0x1] =	stream.indirect_vreg.gather [hbm4b:s3+s2], $0x80, v27, vm0, $0x2000b8;
	[tilespmem:$0xA200] =	vst v63  }
0x41: {  	_ = 	snop  }
0x42: {  	[tilespmem:s1], [sflag:$0x1] =	stream.indirect_vreg.gather [hbm4b:s7+s2], $0x80, v27, vm0, $0x2000b8;
	[tilespmem:$0xA200] =	vst v63  }
0x43: {  	v27 =	vld @!p0 [tilespmem:$0x21B8];
	_ =	sdelay $0x4  }
0x44: {  	v28 =	vshll.u32 @!p0 v27, $0x2  }
0x45: {  	v29 =	vlaneseq.u32 @!p0;
	v27 =	vand.u32 @!p0 $0x7, v27;
	v28 =	vand.u32 @!p0 $0xFFFFFFE0, v28  }
0x46: {  	v30 =	vshrl.u32 @!p0 v29, $0x3;
	v27 =	vor.u32 @!p0 v27, v28;
	v28 =	vand.u32 @!p0 $0x7, v29  }
0x47: {  	v30 =	vmul.u32 @!p0 $0x8, v30;
	v28 =	vperm.xlane @!p0 v27, v28;
	_ =	sdelay $0x1  }
0x48: {  	v28 =	vadd.s32 @!p0 v30, v28  }
0x49: {  	v29 =	vor.u32 @!p0 $0x8, v29  }
0x4a: {  	v27 =	vperm.xlane @!p0 v27, v29;
	_ =	sdelay $0x1  }
0x4b: {  	s14 =	simm.s32 @!p0 $0x0;
	s15 =	simm.s32 @!p0 $0x8200;
	v27 =	vadd.s32 @!p0 v30, v27  }
0x4c: {  	[tilespmem:s15], [sflag:$0x3] =	stream.indirect_vreg.gather @!p0 [hbm4b:s3+s14], $0x80, v28, vm1, $0x2000b8;
	[tilespmem:$0xA200] =	vst v63  }
0x4d: {  	s16 =	simm.s32 @!p0 $0x8A00  }
0x4e: {  	[tilespmem:s16], [sflag:$0x3] =	stream.indirect_vreg.gather @!p0 [hbm4b:s7+s14], $0x80, v28, vm1, $0x2000b8;
	[tilespmem:$0xA200] =	vst v63  }
0x4f: {  	s16 =	simm.s32 @!p0 $0x9200  }
0x50: {  	[tilespmem:s16], [sflag:$0x3] =	stream.indirect_vreg.gather @!p0 [hbm4b:s3+s14], $0x80, v27, vm1, $0x2000b8;
	[tilespmem:$0xA200] =	vst v63  }
0x51: {  	s16 =	simm.s32 @!p0 $0x9A00  }
0x52: {  	[tilespmem:s16], [sflag:$0x3] =	stream.indirect_vreg.gather @!p0 [hbm4b:s7+s14], $0x80, v27, vm1, $0x2000b8;
	[tilespmem:$0xA200] =	vst v63  }
0x53: {  	v27 =	vld [tilespmem:$0x2098];
	_ =	sdelay $0x4  }
0x54: {  	v40 =	vshll.u32 v27, $0x2  }
0x55: {  	v27 =	vand.u32 $0x7, v27;
	v28 =	vand.u32 $0xFFFFFFE0, v40  }
0x56: {  	v27 =	vor.u32 v27, v28  }
0x57: {  	v28 =	vperm.xlane v27, v24;
	_ =	sdelay $0x1  }
0x58: {  	v28 =	vadd.s32 v25, v28;
	_ =	sdelay $0x1  }
0x59: {  	v27 =	vperm.xlane v27, v26;
	_ =	sdelay $0x1  }
0x5a: {  	v27 =	vadd.s32 v25, v27  }
0x5b: {  	[tilespmem:s0], [sflag:$0x2] =	stream.indirect_vreg.gather [hbm4b:s3+s2], $0x80, v28, vm0, $0x2000b8;
	[tilespmem:$0xA200] =	vst v63  }
0x5c: {  	_ = 	snop  }
0x5d: {  	[tilespmem:s4], [sflag:$0x2] =	stream.indirect_vreg.gather [hbm4b:s7+s2], $0x80, v28, vm0, $0x2000b8;
	[tilespmem:$0xA200] =	vst v63  }
0x5e: {  	_ = 	snop  }
0x5f: {  	[tilespmem:s8], [sflag:$0x2] =	stream.indirect_vreg.gather [hbm4b:s3+s2], $0x80, v27, vm0, $0x2000b8;
	[tilespmem:$0xA200] =	vst v63  }
0x60: {  	_ = 	snop  }
0x61: {  	[tilespmem:s9], [sflag:$0x2] =	stream.indirect_vreg.gather [hbm4b:s7+s2], $0x80, v27, vm0, $0x2000b8;
	[tilespmem:$0xA200] =	vst v63  }
0x62: {  	v27 =	vld.msk [tilespmem:$0x20A8], $0xff;
	_ =	sdelay $0x4  }
0x63: {  	v41 =	vshll.u32 v27, $0x2  }
0x64: {  	v27 =	vand.u32 $0x7, v27;
	v28 =	vand.u32 $0xFFFFFFE0, v41  }
0x65: {  	v27 =	vor.u32 v27, v28  }
0x66: {  	v27 =	vperm.xlane v27, v24;
	_ =	sdelay $0x1  }
0x67: {  	v27 =	vadd.s32 v25, v27;
	_ =	sdelay $0x4  }
0x68: {  	[tilespmem:s10], [sflag:$0x2] =	stream.indirect_vreg.gather [hbm4b:s3+s2], $0x80, v27, vm0, $0x2000b8;
	[tilespmem:$0xA200] =	vst v63  }
0x69: {  	_ = 	snop  }
0x6a: {  	[tilespmem:s11], [sflag:$0x2] =	stream.indirect_vreg.gather [hbm4b:s7+s2], $0x80, v27, vm0, $0x2000b8;
	[tilespmem:$0xA200] =	vst v63  }
0x6b: {  	_ =	swait.ge [sflag:s24], $0x3000  }
0x6c: {  	[sflag:s24] =	ssyncset.done $0x0  }
0x6d: {  	s17 =	rddreg [dreg:$0x4];
	[sflag:s24] =	ssyncadd.s32 $0xFFFFD000  }
0x6e: {  	[hbm4b:s17+s2] =	stream.linear.scatter [tilespmem:s26], [sflag:$0x4], $0x3000, $0x200038;
	[tilespmem:$0xA200] =	vst v63  }
0x6f: {  	_ =	swait.ge [sflag:s23], $0x3000  }
0x70: {  	[sflag:s23] =	ssyncset.done $0x0  }
0x71: {  	[sflag:s23] =	ssyncadd.s32 $0xFFFFD000  }
0x72: {  	v27 =	vld [tilespmem:$0x20B0];
	_ =	sdelay $0x4  }
0x73: {  	v42 =	vshll.u32 v27, $0x2  }
0x74: {  	v27 =	vand.u32 $0x7, v27;
	v28 =	vand.u32 $0xFFFFFFE0, v42  }
0x75: {  	v27 =	vor.u32 v27, v28  }
0x76: {  	v28 =	vperm.xlane v27, v24;
	_ =	sdelay $0x1  }
0x77: {  	v28 =	vadd.s32 v25, v28;
	_ =	sdelay $0x1  }
0x78: {  	v27 =	vperm.xlane v27, v26;
	_ =	sdelay $0x1  }
0x79: {  	v27 =	vadd.s32 v25, v27  }
0x7a: {  	[tilespmem:s26], [sflag:$0x1] =	stream.indirect_vreg.gather [hbm4b:s3+s2], $0x80, v28, vm0, $0x2000b8;
	[tilespmem:$0xA200] =	vst v63  }
0x7b: {  	_ = 	snop  }
0x7c: {  	[tilespmem:s28], [sflag:$0x1] =	stream.indirect_vreg.gather [hbm4b:s7+s2], $0x80, v28, vm0, $0x2000b8;
	[tilespmem:$0xA200] =	vst v63  }
0x7d: {  	_ = 	snop  }
0x7e: {  	[tilespmem:s29], [sflag:$0x1] =	stream.indirect_vreg.gather [hbm4b:s3+s2], $0x80, v27, vm0, $0x2000b8;
	[tilespmem:$0xA200] =	vst v63  }
0x7f: {  	_ = 	snop  }
0x80: {  	[tilespmem:s30], [sflag:$0x1] =	stream.indirect_vreg.gather [hbm4b:s7+s2], $0x80, v27, vm0, $0x2000b8;
	[tilespmem:$0xA200] =	vst v63  }
0x81: {  	v27 =	vld.msk [tilespmem:$0x20C0], $0xff;
	_ =	sdelay $0x4  }
0x82: {  	v43 =	vshll.u32 v27, $0x2  }
0x83: {  	v27 =	vand.u32 $0x7, v27;
	v28 =	vand.u32 $0xFFFFFFE0, v43  }
0x84: {  	v27 =	vor.u32 v27, v28  }
0x85: {  	v27 =	vperm.xlane v27, v24;
	_ =	sdelay $0x1  }
0x86: {  	v27 =	vadd.s32 v25, v27;
	_ =	sdelay $0x4  }
0x87: {  	[tilespmem:s31], [sflag:$0x1] =	stream.indirect_vreg.gather [hbm4b:s3+s2], $0x80, v27, vm0, $0x2000b8;
	[tilespmem:$0xA200] =	vst v63  }
0x88: {  	_ = 	snop  }
0x89: {  	[tilespmem:s1], [sflag:$0x1] =	stream.indirect_vreg.gather [hbm4b:s7+s2], $0x80, v27, vm0, $0x2000b8;
	[tilespmem:$0xA200] =	vst v63  }
0x8a: {  	_ =	swait.ge [sflag:s12], $0x3000  }
0x8b: {  	[sflag:s12] =	ssyncset.done $0x0  }
0x8c: {  	s17 =	rddreg [dreg:$0x5];
	[sflag:s12] =	ssyncadd.s32 $0xFFFFD000  }
0x8d: {  	[hbm4b:s17+s2] =	stream.linear.scatter [tilespmem:s0], [sflag:$0x4], $0x3000, $0x200038;
	[tilespmem:$0xA200] =	vst v63  }
0x8e: {  	_ =	swait.ge [sflag:s23], $0x3000  }
0x8f: {  	[sflag:s23] =	ssyncset.done $0x0  }
0x90: {  	[sflag:s23] =	ssyncadd.s32 $0xFFFFD000  }
0x91: {  	v27 =	vld [tilespmem:$0x20C8];
	_ =	sdelay $0x4  }
0x92: {  	v44 =	vshll.u32 v27, $0x2  }
0x93: {  	v27 =	vand.u32 $0x7, v27;
	v28 =	vand.u32 $0xFFFFFFE0, v44  }
0x94: {  	v27 =	vor.u32 v27, v28  }
0x95: {  	v28 =	vperm.xlane v27, v24;
	_ =	sdelay $0x1  }
0x96: {  	v28 =	vadd.s32 v25, v28;
	_ =	sdelay $0x1  }
0x97: {  	v27 =	vperm.xlane v27, v26;
	_ =	sdelay $0x1  }
0x98: {  	v27 =	vadd.s32 v25, v27  }
0x99: {  	[tilespmem:s0], [sflag:$0x2] =	stream.indirect_vreg.gather [hbm4b:s3+s2], $0x80, v28, vm0, $0x2000b8;
	[tilespmem:$0xA200] =	vst v63  }
0x9a: {  	_ = 	snop  }
0x9b: {  	[tilespmem:s4], [sflag:$0x2] =	stream.indirect_vreg.gather [hbm4b:s7+s2], $0x80, v28, vm0, $0x2000b8;
	[tilespmem:$0xA200] =	vst v63  }
0x9c: {  	_ = 	snop  }
0x9d: {  	[tilespmem:s8], [sflag:$0x2] =	stream.indirect_vreg.gather [hbm4b:s3+s2], $0x80, v27, vm0, $0x2000b8;
	[tilespmem:$0xA200] =	vst v63  }
0x9e: {  	_ = 	snop  }
0x9f: {  	[tilespmem:s9], [sflag:$0x2] =	stream.indirect_vreg.gather [hbm4b:s7+s2], $0x80, v27, vm0, $0x2000b8;
	[tilespmem:$0xA200] =	vst v63  }
0xa0: {  	v27 =	vld.msk [tilespmem:$0x20D8], $0xff;
	_ =	sdelay $0x4  }
0xa1: {  	v45 =	vshll.u32 v27, $0x2  }
0xa2: {  	v27 =	vand.u32 $0x7, v27;
	v28 =	vand.u32 $0xFFFFFFE0, v45  }
0xa3: {  	v27 =	vor.u32 v27, v28  }
0xa4: {  	v27 =	vperm.xlane v27, v24;
	_ =	sdelay $0x1  }
0xa5: {  	v27 =	vadd.s32 v25, v27;
	_ =	sdelay $0x4  }
0xa6: {  	[tilespmem:s10], [sflag:$0x2] =	stream.indirect_vreg.gather [hbm4b:s3+s2], $0x80, v27, vm0, $0x2000b8;
	[tilespmem:$0xA200] =	vst v63  }
0xa7: {  	_ = 	snop  }
0xa8: {  	[tilespmem:s11], [sflag:$0x2] =	stream.indirect_vreg.gather [hbm4b:s7+s2], $0x80, v27, vm0, $0x2000b8;
	[tilespmem:$0xA200] =	vst v63  }
0xa9: {  	_ =	swait.ge [sflag:s24], $0x3000  }
0xaa: {  	[sflag:s24] =	ssyncset.done $0x0  }
0xab: {  	s17 =	rddreg [dreg:$0x6];
	[sflag:s24] =	ssyncadd.s32 $0xFFFFD000  }
0xac: {  	[hbm4b:s17+s2] =	stream.linear.scatter [tilespmem:s26], [sflag:$0x4], $0x3000, $0x200038;
	[tilespmem:$0xA200] =	vst v63  }
0xad: {  	_ =	swait.ge [sflag:s23], $0x3000  }
0xae: {  	[sflag:s23] =	ssyncset.done $0x0  }
0xaf: {  	[sflag:s23] =	ssyncadd.s32 $0xFFFFD000  }
0xb0: {  	v27 =	vld [tilespmem:$0x20E0];
	_ =	sdelay $0x4  }
0xb1: {  	v46 =	vshll.u32 v27, $0x2  }
0xb2: {  	v27 =	vand.u32 $0x7, v27;
	v28 =	vand.u32 $0xFFFFFFE0, v46  }
0xb3: {  	v27 =	vor.u32 v27, v28  }
0xb4: {  	v28 =	vperm.xlane v27, v24;
	_ =	sdelay $0x1  }
0xb5: {  	v28 =	vadd.s32 v25, v28;
	_ =	sdelay $0x1  }
0xb6: {  	v27 =	vperm.xlane v27, v26;
	_ =	sdelay $0x1  }
0xb7: {  	v27 =	vadd.s32 v25, v27  }
0xb8: {  	[tilespmem:s26], [sflag:$0x1] =	stream.indirect_vreg.gather [hbm4b:s3+s2], $0x80, v28, vm0, $0x2000b8;
	[tilespmem:$0xA200] =	vst v63  }
0xb9: {  	_ = 	snop  }
0xba: {  	[tilespmem:s28], [sflag:$0x1] =	stream.indirect_vreg.gather [hbm4b:s7+s2], $0x80, v28, vm0, $0x2000b8;
	[tilespmem:$0xA200] =	vst v63  }
0xbb: {  	_ = 	snop  }
0xbc: {  	[tilespmem:s29], [sflag:$0x1] =	stream.indirect_vreg.gather [hbm4b:s3+s2], $0x80, v27, vm0, $0x2000b8;
	[tilespmem:$0xA200] =	vst v63  }
0xbd: {  	_ = 	snop  }
0xbe: {  	[tilespmem:s30], [sflag:$0x1] =	stream.indirect_vreg.gather [hbm4b:s7+s2], $0x80, v27, vm0, $0x2000b8;
	[tilespmem:$0xA200] =	vst v63  }
0xbf: {  	v27 =	vld.msk [tilespmem:$0x20F0], $0xff;
	_ =	sdelay $0x4  }
0xc0: {  	v47 =	vshll.u32 v27, $0x2  }
0xc1: {  	v27 =	vand.u32 $0x7, v27;
	v28 =	vand.u32 $0xFFFFFFE0, v47  }
0xc2: {  	v27 =	vor.u32 v27, v28  }
0xc3: {  	v27 =	vperm.xlane v27, v24;
	_ =	sdelay $0x1  }
0xc4: {  	v27 =	vadd.s32 v25, v27;
	_ =	sdelay $0x4  }
0xc5: {  	[tilespmem:s31], [sflag:$0x1] =	stream.indirect_vreg.gather [hbm4b:s3+s2], $0x80, v27, vm0, $0x2000b8;
	[tilespmem:$0xA200] =	vst v63  }
0xc6: {  	_ = 	snop  }
0xc7: {  	[tilespmem:s1], [sflag:$0x1] =	stream.indirect_vreg.gather [hbm4b:s7+s2], $0x80, v27, vm0, $0x2000b8;
	[tilespmem:$0xA200] =	vst v63  }
0xc8: {  	_ =	swait.ge [sflag:s12], $0x3000  }
0xc9: {  	[sflag:s12] =	ssyncset.done $0x0  }
0xca: {  	s17 =	rddreg [dreg:$0x7];
	[sflag:s12] =	ssyncadd.s32 $0xFFFFD000  }
0xcb: {  	[hbm4b:s17+s2] =	stream.linear.scatter [tilespmem:s0], [sflag:$0x4], $0x3000, $0x200038;
	[tilespmem:$0xA200] =	vst v63  }
0xcc: {  	_ =	swait.ge [sflag:s23], $0x3000  }
0xcd: {  	[sflag:s23] =	ssyncset.done $0x0  }
0xce: {  	[sflag:s23] =	ssyncadd.s32 $0xFFFFD000  }
0xcf: {  	v27 =	vld [tilespmem:$0x20F8];
	_ =	sdelay $0x4  }
0xd0: {  	v48 =	vshll.u32 v27, $0x2  }
0xd1: {  	v27 =	vand.u32 $0x7, v27;
	v28 =	vand.u32 $0xFFFFFFE0, v48  }
0xd2: {  	v27 =	vor.u32 v27, v28  }
0xd3: {  	v28 =	vperm.xlane v27, v24;
	_ =	sdelay $0x1  }
0xd4: {  	v28 =	vadd.s32 v25, v28;
	_ =	sdelay $0x1  }
0xd5: {  	v27 =	vperm.xlane v27, v26;
	_ =	sdelay $0x1  }
0xd6: {  	v27 =	vadd.s32 v25, v27  }
0xd7: {  	[tilespmem:s0], [sflag:$0x2] =	stream.indirect_vreg.gather [hbm4b:s3+s2], $0x80, v28, vm0, $0x2000b8;
	[tilespmem:$0xA200] =	vst v63  }
0xd8: {  	_ = 	snop  }
0xd9: {  	[tilespmem:s4], [sflag:$0x2] =	stream.indirect_vreg.gather [hbm4b:s7+s2], $0x80, v28, vm0, $0x2000b8;
	[tilespmem:$0xA200] =	vst v63  }
0xda: {  	_ = 	snop  }
0xdb: {  	[tilespmem:s8], [sflag:$0x2] =	stream.indirect_vreg.gather [hbm4b:s3+s2], $0x80, v27, vm0, $0x2000b8;
	[tilespmem:$0xA200] =	vst v63  }
0xdc: {  	_ = 	snop  }
0xdd: {  	[tilespmem:s9], [sflag:$0x2] =	stream.indirect_vreg.gather [hbm4b:s7+s2], $0x80, v27, vm0, $0x2000b8;
	[tilespmem:$0xA200] =	vst v63  }
0xde: {  	v27 =	vld.msk [tilespmem:$0x2108], $0xff;
	_ =	sdelay $0x4  }
0xdf: {  	v49 =	vshll.u32 v27, $0x2  }
0xe0: {  	v27 =	vand.u32 $0x7, v27;
	v28 =	vand.u32 $0xFFFFFFE0, v49  }
0xe1: {  	v27 =	vor.u32 v27, v28  }
0xe2: {  	v27 =	vperm.xlane v27, v24;
	_ =	sdelay $0x1  }
0xe3: {  	v27 =	vadd.s32 v25, v27;
	_ =	sdelay $0x4  }
0xe4: {  	[tilespmem:s10], [sflag:$0x2] =	stream.indirect_vreg.gather [hbm4b:s3+s2], $0x80, v27, vm0, $0x2000b8;
	[tilespmem:$0xA200] =	vst v63  }
0xe5: {  	_ = 	snop  }
0xe6: {  	[tilespmem:s11], [sflag:$0x2] =	stream.indirect_vreg.gather [hbm4b:s7+s2], $0x80, v27, vm0, $0x2000b8;
	[tilespmem:$0xA200] =	vst v63  }
0xe7: {  	_ =	swait.ge [sflag:s24], $0x3000  }
0xe8: {  	[sflag:s24] =	ssyncset.done $0x0  }
0xe9: {  	s17 =	rddreg [dreg:$0x8];
	[sflag:s24] =	ssyncadd.s32 $0xFFFFD000  }
0xea: {  	[hbm4b:s17+s2] =	stream.linear.scatter [tilespmem:s26], [sflag:$0x4], $0x3000, $0x200038;
	[tilespmem:$0xA200] =	vst v63  }
0xeb: {  	_ =	swait.ge [sflag:s23], $0x3000  }
0xec: {  	[sflag:s23] =	ssyncset.done $0x0  }
0xed: {  	[sflag:s23] =	ssyncadd.s32 $0xFFFFD000  }
0xee: {  	v27 =	vld [tilespmem:$0x2110];
	_ =	sdelay $0x4  }
0xef: {  	v50 =	vshll.u32 v27, $0x2  }
0xf0: {  	v27 =	vand.u32 $0x7, v27;
	v28 =	vand.u32 $0xFFFFFFE0, v50  }
0xf1: {  	v27 =	vor.u32 v27, v28  }
0xf2: {  	v28 =	vperm.xlane v27, v24;
	_ =	sdelay $0x1  }
0xf3: {  	v28 =	vadd.s32 v25, v28;
	_ =	sdelay $0x1  }
0xf4: {  	v27 =	vperm.xlane v27, v26;
	_ =	sdelay $0x1  }
0xf5: {  	v27 =	vadd.s32 v25, v27  }
0xf6: {  	[tilespmem:s26], [sflag:$0x1] =	stream.indirect_vreg.gather [hbm4b:s3+s2], $0x80, v28, vm0, $0x2000b8;
	[tilespmem:$0xA200] =	vst v63  }
0xf7: {  	_ = 	snop  }
0xf8: {  	[tilespmem:s28], [sflag:$0x1] =	stream.indirect_vreg.gather [hbm4b:s7+s2], $0x80, v28, vm0, $0x2000b8;
	[tilespmem:$0xA200] =	vst v63  }
0xf9: {  	_ = 	snop  }
0xfa: {  	[tilespmem:s29], [sflag:$0x1] =	stream.indirect_vreg.gather [hbm4b:s3+s2], $0x80, v27, vm0, $0x2000b8;
	[tilespmem:$0xA200] =	vst v63  }
0xfb: {  	_ = 	snop  }
0xfc: {  	[tilespmem:s30], [sflag:$0x1] =	stream.indirect_vreg.gather [hbm4b:s7+s2], $0x80, v27, vm0, $0x2000b8;
	[tilespmem:$0xA200] =	vst v63  }
0xfd: {  	v27 =	vld.msk [tilespmem:$0x2120], $0xff;
	_ =	sdelay $0x4  }
0xfe: {  	v51 =	vshll.u32 v27, $0x2  }
0xff: {  	v27 =	vand.u32 $0x7, v27;
	v28 =	vand.u32 $0xFFFFFFE0, v51  }
0x100: {  	v27 =	vor.u32 v27, v28  }
0x101: {  	v27 =	vperm.xlane v27, v24;
	_ =	sdelay $0x1  }
0x102: {  	v27 =	vadd.s32 v25, v27;
	_ =	sdelay $0x4  }
0x103: {  	[tilespmem:s31], [sflag:$0x1] =	stream.indirect_vreg.gather [hbm4b:s3+s2], $0x80, v27, vm0, $0x2000b8;
	[tilespmem:$0xA200] =	vst v63  }
0x104: {  	_ = 	snop  }
0x105: {  	[tilespmem:s1], [sflag:$0x1] =	stream.indirect_vreg.gather [hbm4b:s7+s2], $0x80, v27, vm0, $0x2000b8;
	[tilespmem:$0xA200] =	vst v63  }
0x106: {  	_ =	swait.ge [sflag:s12], $0x3000  }
0x107: {  	[sflag:s12] =	ssyncset.done $0x0  }
0x108: {  	s17 =	rddreg [dreg:$0x9];
	[sflag:s12] =	ssyncadd.s32 $0xFFFFD000  }
0x109: {  	[hbm4b:s17+s2] =	stream.linear.scatter [tilespmem:s0], [sflag:$0x4], $0x3000, $0x200038;
	[tilespmem:$0xA200] =	vst v63  }
0x10a: {  	_ =	swait.ge [sflag:s23], $0x3000  }
0x10b: {  	[sflag:s23] =	ssyncset.done $0x0  }
0x10c: {  	[sflag:s23] =	ssyncadd.s32 $0xFFFFD000  }
0x10d: {  	v27 =	vld [tilespmem:$0x2128];
	_ =	sdelay $0x4  }
0x10e: {  	v52 =	vshll.u32 v27, $0x2  }
0x10f: {  	v27 =	vand.u32 $0x7, v27;
	v28 =	vand.u32 $0xFFFFFFE0, v52  }
0x110: {  	v27 =	vor.u32 v27, v28  }
0x111: {  	v28 =	vperm.xlane v27, v24;
	_ =	sdelay $0x1  }
0x112: {  	v28 =	vadd.s32 v25, v28;
	_ =	sdelay $0x1  }
0x113: {  	v27 =	vperm.xlane v27, v26;
	_ =	sdelay $0x1  }
0x114: {  	v27 =	vadd.s32 v25, v27  }
0x115: {  	[tilespmem:s0], [sflag:$0x2] =	stream.indirect_vreg.gather [hbm4b:s3+s2], $0x80, v28, vm0, $0x2000b8;
	[tilespmem:$0xA200] =	vst v63  }
0x116: {  	_ = 	snop  }
0x117: {  	[tilespmem:s4], [sflag:$0x2] =	stream.indirect_vreg.gather [hbm4b:s7+s2], $0x80, v28, vm0, $0x2000b8;
	[tilespmem:$0xA200] =	vst v63  }
0x118: {  	_ = 	snop  }
0x119: {  	[tilespmem:s8], [sflag:$0x2] =	stream.indirect_vreg.gather [hbm4b:s3+s2], $0x80, v27, vm0, $0x2000b8;
	[tilespmem:$0xA200] =	vst v63  }
0x11a: {  	_ = 	snop  }
0x11b: {  	[tilespmem:s9], [sflag:$0x2] =	stream.indirect_vreg.gather [hbm4b:s7+s2], $0x80, v27, vm0, $0x2000b8;
	[tilespmem:$0xA200] =	vst v63  }
0x11c: {  	v27 =	vld.msk [tilespmem:$0x2138], $0xff;
	_ =	sdelay $0x4  }
0x11d: {  	v53 =	vshll.u32 v27, $0x2  }
0x11e: {  	v27 =	vand.u32 $0x7, v27;
	v28 =	vand.u32 $0xFFFFFFE0, v53  }
0x11f: {  	v27 =	vor.u32 v27, v28  }
0x120: {  	v27 =	vperm.xlane v27, v24;
	_ =	sdelay $0x1  }
0x121: {  	v27 =	vadd.s32 v25, v27;
	_ =	sdelay $0x4  }
0x122: {  	[tilespmem:s10], [sflag:$0x2] =	stream.indirect_vreg.gather [hbm4b:s3+s2], $0x80, v27, vm0, $0x2000b8;
	[tilespmem:$0xA200] =	vst v63  }
0x123: {  	_ = 	snop  }
0x124: {  	[tilespmem:s11], [sflag:$0x2] =	stream.indirect_vreg.gather [hbm4b:s7+s2], $0x80, v27, vm0, $0x2000b8;
	[tilespmem:$0xA200] =	vst v63  }
0x125: {  	_ =	swait.ge [sflag:s24], $0x3000  }
0x126: {  	[sflag:s24] =	ssyncset.done $0x0  }
0x127: {  	s17 =	rddreg [dreg:$0xa];
	[sflag:s24] =	ssyncadd.s32 $0xFFFFD000  }
0x128: {  	[hbm4b:s17+s2] =	stream.linear.scatter [tilespmem:s26], [sflag:$0x4], $0x3000, $0x200038;
	[tilespmem:$0xA200] =	vst v63  }
0x129: {  	_ =	swait.ge [sflag:s23], $0x3000  }
0x12a: {  	[sflag:s23] =	ssyncset.done $0x0  }
0x12b: {  	[sflag:s23] =	ssyncadd.s32 $0xFFFFD000  }
0x12c: {  	v27 =	vld [tilespmem:$0x2140];
	_ =	sdelay $0x4  }
0x12d: {  	v54 =	vshll.u32 v27, $0x2  }
0x12e: {  	v27 =	vand.u32 $0x7, v27;
	v28 =	vand.u32 $0xFFFFFFE0, v54  }
0x12f: {  	v27 =	vor.u32 v27, v28  }
0x130: {  	v28 =	vperm.xlane v27, v24;
	_ =	sdelay $0x1  }
0x131: {  	v28 =	vadd.s32 v25, v28;
	_ =	sdelay $0x1  }
0x132: {  	v27 =	vperm.xlane v27, v26;
	_ =	sdelay $0x1  }
0x133: {  	v27 =	vadd.s32 v25, v27  }
0x134: {  	[tilespmem:s26], [sflag:$0x1] =	stream.indirect_vreg.gather [hbm4b:s3+s2], $0x80, v28, vm0, $0x2000b8;
	[tilespmem:$0xA200] =	vst v63  }
0x135: {  	_ = 	snop  }
0x136: {  	[tilespmem:s28], [sflag:$0x1] =	stream.indirect_vreg.gather [hbm4b:s7+s2], $0x80, v28, vm0, $0x2000b8;
	[tilespmem:$0xA200] =	vst v63  }
0x137: {  	_ = 	snop  }
0x138: {  	[tilespmem:s29], [sflag:$0x1] =	stream.indirect_vreg.gather [hbm4b:s3+s2], $0x80, v27, vm0, $0x2000b8;
	[tilespmem:$0xA200] =	vst v63  }
0x139: {  	_ = 	snop  }
0x13a: {  	[tilespmem:s30], [sflag:$0x1] =	stream.indirect_vreg.gather [hbm4b:s7+s2], $0x80, v27, vm0, $0x2000b8;
	[tilespmem:$0xA200] =	vst v63  }
0x13b: {  	v27 =	vld.msk [tilespmem:$0x2150], $0xff;
	_ =	sdelay $0x4  }
0x13c: {  	v55 =	vshll.u32 v27, $0x2  }
0x13d: {  	v27 =	vand.u32 $0x7, v27;
	v28 =	vand.u32 $0xFFFFFFE0, v55  }
0x13e: {  	v27 =	vor.u32 v27, v28  }
0x13f: {  	v27 =	vperm.xlane v27, v24;
	_ =	sdelay $0x1  }
0x140: {  	v27 =	vadd.s32 v25, v27;
	_ =	sdelay $0x4  }
0x141: {  	[tilespmem:s31], [sflag:$0x1] =	stream.indirect_vreg.gather [hbm4b:s3+s2], $0x80, v27, vm0, $0x2000b8;
	[tilespmem:$0xA200] =	vst v63  }
0x142: {  	_ = 	snop  }
0x143: {  	[tilespmem:s1], [sflag:$0x1] =	stream.indirect_vreg.gather [hbm4b:s7+s2], $0x80, v27, vm0, $0x2000b8;
	[tilespmem:$0xA200] =	vst v63  }
0x144: {  	_ =	swait.ge [sflag:s12], $0x3000  }
0x145: {  	[sflag:s12] =	ssyncset.done $0x0  }
0x146: {  	s17 =	rddreg [dreg:$0xb];
	[sflag:s12] =	ssyncadd.s32 $0xFFFFD000  }
0x147: {  	[hbm4b:s17+s2] =	stream.linear.scatter [tilespmem:s0], [sflag:$0x4], $0x3000, $0x200038;
	[tilespmem:$0xA200] =	vst v63  }
0x148: {  	_ =	swait.ge [sflag:s23], $0x3000  }
0x149: {  	[sflag:s23] =	ssyncset.done $0x0  }
0x14a: {  	[sflag:s23] =	ssyncadd.s32 $0xFFFFD000  }
0x14b: {  	v27 =	vld [tilespmem:$0x2158];
	_ =	sdelay $0x4  }
0x14c: {  	v56 =	vshll.u32 v27, $0x2  }
0x14d: {  	v27 =	vand.u32 $0x7, v27;
	v28 =	vand.u32 $0xFFFFFFE0, v56  }
0x14e: {  	v27 =	vor.u32 v27, v28  }
0x14f: {  	v28 =	vperm.xlane v27, v24;
	_ =	sdelay $0x1  }
0x150: {  	v28 =	vadd.s32 v25, v28;
	_ =	sdelay $0x1  }
0x151: {  	v27 =	vperm.xlane v27, v26;
	_ =	sdelay $0x1  }
0x152: {  	v27 =	vadd.s32 v25, v27  }
0x153: {  	[tilespmem:s0], [sflag:$0x2] =	stream.indirect_vreg.gather [hbm4b:s3+s2], $0x80, v28, vm0, $0x2000b8;
	[tilespmem:$0xA200] =	vst v63  }
0x154: {  	_ = 	snop  }
0x155: {  	[tilespmem:s4], [sflag:$0x2] =	stream.indirect_vreg.gather [hbm4b:s7+s2], $0x80, v28, vm0, $0x2000b8;
	[tilespmem:$0xA200] =	vst v63  }
0x156: {  	_ = 	snop  }
0x157: {  	[tilespmem:s8], [sflag:$0x2] =	stream.indirect_vreg.gather [hbm4b:s3+s2], $0x80, v27, vm0, $0x2000b8;
	[tilespmem:$0xA200] =	vst v63  }
0x158: {  	_ = 	snop  }
0x159: {  	[tilespmem:s9], [sflag:$0x2] =	stream.indirect_vreg.gather [hbm4b:s7+s2], $0x80, v27, vm0, $0x2000b8;
	[tilespmem:$0xA200] =	vst v63  }
0x15a: {  	v27 =	vld.msk [tilespmem:$0x2168], $0xff;
	_ =	sdelay $0x4  }
0x15b: {  	v57 =	vshll.u32 v27, $0x2  }
0x15c: {  	v27 =	vand.u32 $0x7, v27;
	v28 =	vand.u32 $0xFFFFFFE0, v57  }
0x15d: {  	v27 =	vor.u32 v27, v28  }
0x15e: {  	v27 =	vperm.xlane v27, v24;
	_ =	sdelay $0x1  }
0x15f: {  	v27 =	vadd.s32 v25, v27;
	_ =	sdelay $0x4  }
0x160: {  	[tilespmem:s10], [sflag:$0x2] =	stream.indirect_vreg.gather [hbm4b:s3+s2], $0x80, v27, vm0, $0x2000b8;
	[tilespmem:$0xA200] =	vst v63  }
0x161: {  	_ = 	snop  }
0x162: {  	[tilespmem:s11], [sflag:$0x2] =	stream.indirect_vreg.gather [hbm4b:s7+s2], $0x80, v27, vm0, $0x2000b8;
	[tilespmem:$0xA200] =	vst v63  }
0x163: {  	_ =	swait.ge [sflag:s24], $0x3000  }
0x164: {  	[sflag:s24] =	ssyncset.done $0x0  }
0x165: {  	s17 =	rddreg [dreg:$0xc];
	[sflag:s24] =	ssyncadd.s32 $0xFFFFD000  }
0x166: {  	[hbm4b:s17+s2] =	stream.linear.scatter [tilespmem:s26], [sflag:$0x4], $0x3000, $0x200038;
	[tilespmem:$0xA200] =	vst v63  }
0x167: {  	_ =	swait.ge [sflag:s23], $0x3000  }
0x168: {  	[sflag:s23] =	ssyncset.done $0x0  }
0x169: {  	[sflag:s23] =	ssyncadd.s32 $0xFFFFD000  }
0x16a: {  	v27 =	vld [tilespmem:$0x2170];
	_ =	sdelay $0x4  }
0x16b: {  	v58 =	vshll.u32 v27, $0x2  }
0x16c: {  	v27 =	vand.u32 $0x7, v27;
	v28 =	vand.u32 $0xFFFFFFE0, v58  }
0x16d: {  	v27 =	vor.u32 v27, v28  }
0x16e: {  	v28 =	vperm.xlane v27, v24;
	_ =	sdelay $0x1  }
0x16f: {  	v28 =	vadd.s32 v25, v28;
	_ =	sdelay $0x1  }
0x170: {  	v27 =	vperm.xlane v27, v26;
	_ =	sdelay $0x1  }
0x171: {  	v27 =	vadd.s32 v25, v27  }
0x172: {  	[tilespmem:s26], [sflag:$0x1] =	stream.indirect_vreg.gather [hbm4b:s3+s2], $0x80, v28, vm0, $0x2000b8;
	[tilespmem:$0xA200] =	vst v63  }
0x173: {  	_ = 	snop  }
0x174: {  	[tilespmem:s28], [sflag:$0x1] =	stream.indirect_vreg.gather [hbm4b:s7+s2], $0x80, v28, vm0, $0x2000b8;
	[tilespmem:$0xA200] =	vst v63  }
0x175: {  	_ = 	snop  }
0x176: {  	[tilespmem:s29], [sflag:$0x1] =	stream.indirect_vreg.gather [hbm4b:s3+s2], $0x80, v27, vm0, $0x2000b8;
	[tilespmem:$0xA200] =	vst v63  }
0x177: {  	_ = 	snop  }
0x178: {  	[tilespmem:s30], [sflag:$0x1] =	stream.indirect_vreg.gather [hbm4b:s7+s2], $0x80, v27, vm0, $0x2000b8;
	[tilespmem:$0xA200] =	vst v63  }
0x179: {  	v27 =	vld.msk [tilespmem:$0x2180], $0xff;
	_ =	sdelay $0x4  }
0x17a: {  	v59 =	vshll.u32 v27, $0x2  }
0x17b: {  	v27 =	vand.u32 $0x7, v27;
	v28 =	vand.u32 $0xFFFFFFE0, v59  }
0x17c: {  	v27 =	vor.u32 v27, v28  }
0x17d: {  	v27 =	vperm.xlane v27, v24;
	_ =	sdelay $0x1  }
0x17e: {  	v27 =	vadd.s32 v25, v27;
	_ =	sdelay $0x4  }
0x17f: {  	[tilespmem:s31], [sflag:$0x1] =	stream.indirect_vreg.gather [hbm4b:s3+s2], $0x80, v27, vm0, $0x2000b8;
	[tilespmem:$0xA200] =	vst v63  }
0x180: {  	_ = 	snop  }
0x181: {  	[tilespmem:s1], [sflag:$0x1] =	stream.indirect_vreg.gather [hbm4b:s7+s2], $0x80, v27, vm0, $0x2000b8;
	[tilespmem:$0xA200] =	vst v63  }
0x182: {  	_ =	swait.ge [sflag:s12], $0x3000  }
0x183: {  	[sflag:s12] =	ssyncset.done $0x0  }
0x184: {  	s17 =	rddreg [dreg:$0xd];
	[sflag:s12] =	ssyncadd.s32 $0xFFFFD000  }
0x185: {  	[hbm4b:s17+s2] =	stream.linear.scatter [tilespmem:s0], [sflag:$0x4], $0x3000, $0x200038;
	[tilespmem:$0xA200] =	vst v63  }
0x186: {  	_ =	swait.ge [sflag:s23], $0x3000  }
0x187: {  	[sflag:s23] =	ssyncset.done $0x0  }
0x188: {  	[sflag:s23] =	ssyncadd.s32 $0xFFFFD000  }
0x189: {  	v27 =	vld [tilespmem:$0x2188];
	_ =	sdelay $0x4  }
0x18a: {  	v60 =	vshll.u32 v27, $0x2  }
0x18b: {  	v27 =	vand.u32 $0x7, v27;
	v28 =	vand.u32 $0xFFFFFFE0, v60  }
0x18c: {  	v27 =	vor.u32 v27, v28  }
0x18d: {  	v28 =	vperm.xlane v27, v24;
	_ =	sdelay $0x1  }
0x18e: {  	v28 =	vadd.s32 v25, v28;
	_ =	sdelay $0x1  }
0x18f: {  	v27 =	vperm.xlane v27, v26;
	_ =	sdelay $0x1  }
0x190: {  	v27 =	vadd.s32 v25, v27  }
0x191: {  	[tilespmem:s0], [sflag:$0x2] =	stream.indirect_vreg.gather [hbm4b:s3+s2], $0x80, v28, vm0, $0x2000b8;
	[tilespmem:$0xA200] =	vst v63  }
0x192: {  	_ = 	snop  }
0x193: {  	[tilespmem:s4], [sflag:$0x2] =	stream.indirect_vreg.gather [hbm4b:s7+s2], $0x80, v28, vm0, $0x2000b8;
	[tilespmem:$0xA200] =	vst v63  }
0x194: {  	_ = 	snop  }
0x195: {  	[tilespmem:s8], [sflag:$0x2] =	stream.indirect_vreg.gather [hbm4b:s3+s2], $0x80, v27, vm0, $0x2000b8;
	[tilespmem:$0xA200] =	vst v63  }
0x196: {  	_ = 	snop  }
0x197: {  	[tilespmem:s9], [sflag:$0x2] =	stream.indirect_vreg.gather [hbm4b:s7+s2], $0x80, v27, vm0, $0x2000b8;
	[tilespmem:$0xA200] =	vst v63  }
0x198: {  	v27 =	vld.msk [tilespmem:$0x2198], $0xff;
	_ =	sdelay $0x4  }
0x199: {  	v61 =	vshll.u32 v27, $0x2  }
0x19a: {  	v27 =	vand.u32 $0x7, v27;
	v28 =	vand.u32 $0xFFFFFFE0, v61  }
0x19b: {  	v27 =	vor.u32 v27, v28  }
0x19c: {  	v27 =	vperm.xlane v27, v24;
	_ =	sdelay $0x1  }
0x19d: {  	v27 =	vadd.s32 v25, v27;
	_ =	sdelay $0x4  }
0x19e: {  	[tilespmem:s10], [sflag:$0x2] =	stream.indirect_vreg.gather [hbm4b:s3+s2], $0x80, v27, vm0, $0x2000b8;
	[tilespmem:$0xA200] =	vst v63  }
0x19f: {  	_ = 	snop  }
0x1a0: {  	[tilespmem:s11], [sflag:$0x2] =	stream.indirect_vreg.gather [hbm4b:s7+s2], $0x80, v27, vm0, $0x2000b8;
	[tilespmem:$0xA200] =	vst v63  }
0x1a1: {  	_ =	swait.ge [sflag:s24], $0x3000  }
0x1a2: {  	[sflag:s24] =	ssyncset.done $0x0  }
0x1a3: {  	[sflag:s24] =	ssyncadd.s32 $0xFFFFD000  }
0x1a4: {  	[hbm4b:s18+s2] =	stream.linear.scatter [tilespmem:s26], [sflag:$0x4], $0x3000, $0x200038;
	[tilespmem:$0xA200] =	vst v63  }
0x1a5: {  	_ =	swait.ge [sflag:s23], $0x3000  }
0x1a6: {  	[sflag:s23] =	ssyncset.done $0x0  }
0x1a7: {  	[sflag:s23] =	ssyncadd.s32 $0xFFFFD000  }
0x1a8: {  	v27 =	vld [tilespmem:$0x21A0];
	_ =	sdelay $0x4  }
0x1a9: {  	v62 =	vshll.u32 v27, $0x2  }
0x1aa: {  	v27 =	vand.u32 $0x7, v27;
	v28 =	vand.u32 $0xFFFFFFE0, v62  }
0x1ab: {  	v27 =	vor.u32 v27, v28  }
0x1ac: {  	v28 =	vperm.xlane v27, v24;
	_ =	sdelay $0x1  }
0x1ad: {  	v28 =	vadd.s32 v25, v28;
	_ =	sdelay $0x1  }
0x1ae: {  	v27 =	vperm.xlane v27, v26;
	_ =	sdelay $0x1  }
0x1af: {  	v27 =	vadd.s32 v25, v27  }
0x1b0: {  	[tilespmem:s26], [sflag:$0x1] =	stream.indirect_vreg.gather [hbm4b:s3+s2], $0x80, v28, vm0, $0x2000b8;
	[tilespmem:$0xA200] =	vst v63  }
0x1b1: {  	_ = 	snop  }
0x1b2: {  	[tilespmem:s28], [sflag:$0x1] =	stream.indirect_vreg.gather [hbm4b:s7+s2], $0x80, v28, vm0, $0x2000b8;
	[tilespmem:$0xA200] =	vst v63  }
0x1b3: {  	_ = 	snop  }
0x1b4: {  	[tilespmem:s29], [sflag:$0x1] =	stream.indirect_vreg.gather [hbm4b:s3+s2], $0x80, v27, vm0, $0x2000b8;
	[tilespmem:$0xA200] =	vst v63  }
0x1b5: {  	_ = 	snop  }
0x1b6: {  	[tilespmem:s30], [sflag:$0x1] =	stream.indirect_vreg.gather [hbm4b:s7+s2], $0x80, v27, vm0, $0x2000b8;
	[tilespmem:$0xA200] =	vst v63  }
0x1b7: {  	v27 =	vld.msk [tilespmem:$0x21B0], $0xff;
	_ =	sdelay $0x4  }
0x1b8: {  	v63 =	vshll.u32 v27, $0x2  }
0x1b9: {  	v27 =	vand.u32 $0x7, v27;
	v28 =	vand.u32 $0xFFFFFFE0, v63  }
0x1ba: {  	v27 =	vor.u32 v27, v28  }
0x1bb: {  	v27 =	vperm.xlane v27, v24;
	_ =	sdelay $0x1  }
0x1bc: {  	v27 =	vadd.s32 v25, v27;
	_ =	sdelay $0x4  }
0x1bd: {  	[tilespmem:s31], [sflag:$0x1] =	stream.indirect_vreg.gather [hbm4b:s3+s2], $0x80, v27, vm0, $0x2000b8;
	[tilespmem:$0xA200] =	vst v63  }
0x1be: {  	_ = 	snop  }
0x1bf: {  	[tilespmem:s1], [sflag:$0x1] =	stream.indirect_vreg.gather [hbm4b:s7+s2], $0x80, v27, vm0, $0x2000b8;
	[tilespmem:$0xA200] =	vst v63  }
0x1c0: {  	_ =	swait.ge [sflag:s12], $0x3000  }
0x1c1: {  	[sflag:s12] =	ssyncset.done $0x0  }
0x1c2: {  	[sflag:s12] =	ssyncadd.s32 $0xFFFFD000  }
0x1c3: {  	[hbm4b:s19+s2] =	stream.linear.scatter [tilespmem:s0], [sflag:$0x4], $0x3000, $0x200038;
	[tilespmem:$0xA200] =	vst v63  }
0x1c4: {  	_ =	swait.ge [sflag:s23], $0x3000  }
0x1c5: {  	[sflag:s23] =	ssyncset.done $0x0  }
0x1c6: {  	[sflag:s23] =	ssyncadd.s32 $0xFFFFD000  }
0x1c7: {  	_ =	swait.ge [sflag:s24], $0x3000  }
0x1c8: {  	[sflag:s24] =	ssyncset.done $0x0  }
0x1c9: {  	[sflag:s24] =	ssyncadd.s32 $0xFFFFD000  }
0x1ca: {  	[hbm4b:s20+s2] =	stream.linear.scatter [tilespmem:s26], [sflag:$0x4], $0x3000, $0x200038;
	[tilespmem:$0xA200] =	vst v63  }
0x1cb: {  	_ =	swait.ge [sflag:s23], $0x3000  }
0x1cc: {  	[sflag:s23] =	ssyncset.done $0x0  }
0x1cd: {  	s16 =	simm.s32 @!p0 $0x3;
	[sflag:s23] =	ssyncadd.s32 $0xFFFFD000  }
0x1ce: {  	_ =	swait.ge @!p0 [sflag:s16], $0x2000  }
0x1cf: {  	s13 =	sadd.s32 $0x1, s13;
	[sflag:s16] =	ssyncset.done @!p0 $0x0  }
0x1d0: {  	p1 =	sne.s32 s13, s22;
	[sflag:s16] =	ssyncadd.s32 @!p0 $0xFFFFE000  }
0x1d1: {  	[hbm4b:s21+s14] =	stream.linear.scatter @!p0 [tilespmem:s15], [sflag:$0x4], $0x2000, $0x200038;
	[tilespmem:$0xA200] =	vst v63  }
.Ltmp1:
0x1d2: {  	s14 =	simm.s32 @!p0 $0x4;
	(pc) =	sbr.rel @!p1 .LBB2_9-.Ltmp1, $4  }
0x1d3: {  	_ =	swait.ge @!p0 [sflag:s14], $0x2000  }
0x1d4: {  	[sflag:s14] =	ssyncset.done @!p0 $0x0  }
0x1d5: {  	[sflag:s14] =	ssyncadd.s32 @!p0 $0xFFFFE000  }
0x1d6: {  	_ =	strace $0x9000004A  }
.LBB2_1:
0x1d7: {  	_ =	strace $0x80000048  }
0x1d8: {  	s14 =	rddreg [dreg:$0x3]  }
0x1d9: {  	[tilespmem:s2], [sflag:$0x4] =	stream.linear.gather [hbm4b:s14+s2], $0x2080, $0x200038;
	[tilespmem:$0xA200] =	vst v63  }
0x1da: {  	_ =	swait.ge [sflag:s23], $0x2080  }
0x1db: {  	[sflag:s23] =	ssyncset.done $0x0  }
0x1dc: {  	[sflag:s23] =	ssyncadd.s32 $0xFFFFDF80  }
0x1dd: {  	_ =	strace $0x90000048  }
0x1de: {  	v27 =	vld [tilespmem:$0xFFF];
	_ =	sdelay $0x1  }
0x1df: {  	[tilespmem:$0x2080] =	vst v1  }
0x1e0: {  	[tilespmem:$0x2090] =	vst v2  }
0x1e1: {  	[tilespmem:$0x20A0] =	vst v3  }
0x1e2: {  	[tilespmem:$0x20B0] =	vst v4;
	(v2sf) =	vpush v27, $0x0  }
0x1e3: {  	[tilespmem:$0x20C0] =	vst v5  }
0x1e4: {  	[tilespmem:$0x20D0] =	vst v6  }
0x1e5: {  	[tilespmem:$0x20E0] =	vst v7  }
0x1e6: {  	[tilespmem:$0x20F0] =	vst v8  }
0x1e7: {  	[tilespmem:$0x2100] =	vst v9  }
0x1e8: {  	[tilespmem:$0x2110] =	vst v10  }
0x1e9: {  	[tilespmem:$0x2120] =	vst v11  }
0x1ea: {  	[tilespmem:$0x2130] =	vst v12  }
0x1eb: {  	[tilespmem:$0x2140] =	vst v13  }
0x1ec: {  	[tilespmem:$0x2150] =	vst v14  }
0x1ed: {  	[tilespmem:$0x2160] =	vst v15  }
0x1ee: {  	[tilespmem:$0x2170] =	vst v16  }
0x1ef: {  	[tilespmem:$0x2180] =	vst v17  }
0x1f0: {  	[tilespmem:$0x2190] =	vst v18  }
0x1f1: {  	[tilespmem:$0x21A0] =	vst v19;
	s15 =	spop (v2sf)  }
0x1f2: {  	s14 =	simm.s32 $0x1000;
	[tilespmem:$0x21B0] =	vst v20;
	p1 =	slt.s32 s15, s5  }
0x1f3: {  	[tilespmem:$0x21C0] =	vst v21;
	s14 =	simm.s32 @!p1 $0x0  }
0x1f4: {  	v27 =	vld [tilespmem:s14+$0x7FF];
	_ =	sdelay $0x4  }
0x1f5: {  	(v2sf) =	vpush v27, $0x0;
	_ =	sdelay $0xe  }
0x1f6: {  	s16 =	spop (v2sf)  }
0x1f7: {  	p1 =	slt.s32 s16, s5;
	s16 =	sor.u32 $0x800, s14  }
0x1f8: {  	s14 =	smov.u32 @p1 s16  }
0x1f9: {  	v27 =	vld [tilespmem:s14+$0x3FF];
	_ =	sdelay $0x4  }
0x1fa: {  	(v2sf) =	vpush v27, $0x0;
	_ =	sdelay $0xe  }
0x1fb: {  	s17 =	spop (v2sf)  }
0x1fc: {  	s16 =	sor.u32 $0x400, s14;
	p1 =	slt.s32 s17, s5  }
0x1fd: {  	s14 =	smov.u32 @p1 s16  }
0x1fe: {  	v27 =	vld [tilespmem:s14+$0x1FF];
	_ =	sdelay $0x4  }
0x1ff: {  	(v2sf) =	vpush v27, $0x0;
	_ =	sdelay $0xe  }
0x200: {  	s17 =	spop (v2sf)  }
0x201: {  	s16 =	sor.u32 $0x200, s14;
	p1 =	slt.s32 s17, s5  }
0x202: {  	s14 =	smov.u32 @p1 s16  }
0x203: {  	v27 =	vld [tilespmem:s14+$0xFF];
	_ =	sdelay $0x4  }
0x204: {  	(v2sf) =	vpush v27, $0x0;
	_ =	sdelay $0xe  }
0x205: {  	s17 =	spop (v2sf)  }
0x206: {  	s16 =	sadd.s32 $0x100, s14;
	p1 =	slt.s32 s17, s5  }
0x207: {  	s14 =	smov.u32 @p1 s16  }
0x208: {  	v27 =	vld [tilespmem:s14+$0x7F];
	_ =	sdelay $0x4  }
0x209: {  	(v2sf) =	vpush v27, $0x0;
	_ =	sdelay $0xe  }
0x20a: {  	s17 =	spop (v2sf)  }
0x20b: {  	s16 =	sadd.s32 $0x80, s14;
	p1 =	slt.s32 s17, s5  }
0x20c: {  	s14 =	smov.u32 @p1 s16  }
0x20d: {  	v27 =	vld [tilespmem:s14+$0x3F];
	_ =	sdelay $0x4  }
0x20e: {  	(v2sf) =	vpush v27, $0x0;
	_ =	sdelay $0xe  }
0x20f: {  	s17 =	spop (v2sf)  }
0x210: {  	s16 =	sadd.s32 $0x40, s14;
	p1 =	slt.s32 s17, s5  }
0x211: {  	s14 =	smov.u32 @p1 s16  }
0x212: {  	v27 =	vld [tilespmem:s14+$0x1F];
	_ =	sdelay $0x4  }
0x213: {  	(v2sf) =	vpush v27, $0x0;
	_ =	sdelay $0xe  }
0x214: {  	s17 =	spop (v2sf)  }
0x215: {  	s16 =	sadd.s32 $0x20, s14;
	p1 =	slt.s32 s17, s5  }
0x216: {  	s14 =	smov.u32 @p1 s16  }
0x217: {  	v27 =	vld [tilespmem:s14+$0xF];
	_ =	sdelay $0x4  }
0x218: {  	(v2sf) =	vpush v27, $0x0;
	_ =	sdelay $0xe  }
0x219: {  	s17 =	spop (v2sf)  }
0x21a: {  	s16 =	sadd.s32 $0x10, s14;
	p1 =	slt.s32 s17, s5  }
0x21b: {  	s14 =	smov.u32 @p1 s16  }
0x21c: {  	v27 =	vld [tilespmem:s14+$0x7];
	_ =	sdelay $0x4  }
0x21d: {  	(v2sf) =	vpush v27, $0x0;
	_ =	sdelay $0xe  }
0x21e: {  	s17 =	spop (v2sf)  }
0x21f: {  	s16 =	sadd.s32 $0x8, s14;
	p1 =	slt.s32 s17, s5  }
0x220: {  	s14 =	smov.u32 @p1 s16  }
0x221: {  	v27 =	vld [tilespmem:s14+$0x3];
	_ =	sdelay $0x4  }
0x222: {  	(v2sf) =	vpush v27, $0x0;
	_ =	sdelay $0xe  }
0x223: {  	s17 =	spop (v2sf)  }
0x224: {  	s16 =	sadd.s32 $0x4, s14;
	p1 =	slt.s32 s17, s5  }
0x225: {  	s14 =	smov.u32 @p1 s16  }
0x226: {  	v27 =	vld [tilespmem:s14+$0x1];
	_ =	sdelay $0x4  }
0x227: {  	(v2sf) =	vpush v27, $0x0;
	_ =	sdelay $0xe  }
0x228: {  	s17 =	spop (v2sf)  }
0x229: {  	s16 =	sadd.s32 $0x2, s14;
	p1 =	slt.s32 s17, s5  }
0x22a: {  	s14 =	smov.u32 @p1 s16;
	p1 =	slt.s32 s15, s6;
	s15 =	simm.s32 $0x1000  }
0x22b: {  	v27 =	vld [tilespmem:s14+$0x0];
	s15 =	simm.s32 @!p1 $0x0  }
0x22c: {  	v28 =	vld [tilespmem:s15+$0x7FF];
	_ =	sdelay $0x3  }
0x22d: {  	(v2sf) =	vpush v27, $0x0  }
0x22e: {  	(v2sf) =	vpush v28, $0x0;
	_ =	sdelay $0xd  }
0x22f: {  	s16 =	spop (v2sf)  }
0x230: {  	s17 =	spop (v2sf)  }
0x231: {  	p1 =	slt.s32 s17, s6;
	s17 =	sor.u32 $0x800, s15  }
0x232: {  	s15 =	smov.u32 @p1 s17  }
0x233: {  	v27 =	vld [tilespmem:s15+$0x3FF];
	_ =	sdelay $0x4  }
0x234: {  	(v2sf) =	vpush v27, $0x0;
	_ =	sdelay $0xe  }
0x235: {  	s17 =	spop (v2sf)  }
0x236: {  	p1 =	slt.s32 s17, s6;
	s17 =	sor.u32 $0x400, s15  }
0x237: {  	s15 =	smov.u32 @p1 s17  }
0x238: {  	v27 =	vld [tilespmem:s15+$0x1FF];
	_ =	sdelay $0x4  }
0x239: {  	(v2sf) =	vpush v27, $0x0;
	_ =	sdelay $0xe  }
0x23a: {  	s17 =	spop (v2sf)  }
0x23b: {  	p1 =	slt.s32 s17, s6;
	s17 =	sor.u32 $0x200, s15  }
0x23c: {  	s15 =	smov.u32 @p1 s17  }
0x23d: {  	v27 =	vld [tilespmem:s15+$0xFF];
	_ =	sdelay $0x4  }
0x23e: {  	(v2sf) =	vpush v27, $0x0;
	_ =	sdelay $0xe  }
0x23f: {  	s17 =	spop (v2sf)  }
0x240: {  	p1 =	slt.s32 s17, s6;
	s17 =	sadd.s32 $0x100, s15  }
0x241: {  	s15 =	smov.u32 @p1 s17  }
0x242: {  	v27 =	vld [tilespmem:s15+$0x7F];
	_ =	sdelay $0x4  }
0x243: {  	(v2sf) =	vpush v27, $0x0;
	_ =	sdelay $0xe  }
0x244: {  	s17 =	spop (v2sf)  }
0x245: {  	p1 =	slt.s32 s17, s6;
	s17 =	sadd.s32 $0x80, s15  }
0x246: {  	s15 =	smov.u32 @p1 s17  }
0x247: {  	v27 =	vld [tilespmem:s15+$0x3F];
	_ =	sdelay $0x4  }
0x248: {  	(v2sf) =	vpush v27, $0x0;
	_ =	sdelay $0xe  }
0x249: {  	s17 =	spop (v2sf)  }
0x24a: {  	p1 =	slt.s32 s17, s6;
	s17 =	sadd.s32 $0x40, s15  }
0x24b: {  	s15 =	smov.u32 @p1 s17  }
0x24c: {  	v27 =	vld [tilespmem:s15+$0x1F];
	_ =	sdelay $0x4  }
0x24d: {  	(v2sf) =	vpush v27, $0x0;
	_ =	sdelay $0xe  }
0x24e: {  	s17 =	spop (v2sf)  }
0x24f: {  	p1 =	slt.s32 s17, s6;
	s17 =	sadd.s32 $0x20, s15  }
0x250: {  	s15 =	smov.u32 @p1 s17  }
0x251: {  	v27 =	vld [tilespmem:s15+$0xF];
	_ =	sdelay $0x4  }
0x252: {  	(v2sf) =	vpush v27, $0x0;
	_ =	sdelay $0xe  }
0x253: {  	s17 =	spop (v2sf)  }
0x254: {  	p1 =	slt.s32 s17, s6;
	s17 =	sadd.s32 $0x10, s15  }
0x255: {  	s15 =	smov.u32 @p1 s17  }
0x256: {  	v27 =	vld [tilespmem:s15+$0x7];
	_ =	sdelay $0x4  }
0x257: {  	(v2sf) =	vpush v27, $0x0;
	_ =	sdelay $0xe  }
0x258: {  	s17 =	spop (v2sf)  }
0x259: {  	p1 =	slt.s32 s17, s6;
	s17 =	sadd.s32 $0x8, s15  }
0x25a: {  	s15 =	smov.u32 @p1 s17  }
0x25b: {  	v27 =	vld [tilespmem:s15+$0x3];
	_ =	sdelay $0x4  }
0x25c: {  	(v2sf) =	vpush v27, $0x0;
	_ =	sdelay $0xe  }
0x25d: {  	s17 =	spop (v2sf)  }
0x25e: {  	p1 =	slt.s32 s17, s6;
	s17 =	sadd.s32 $0x4, s15  }
0x25f: {  	s15 =	smov.u32 @p1 s17  }
0x260: {  	v27 =	vld [tilespmem:s15+$0x1];
	_ =	sdelay $0x4  }
0x261: {  	(v2sf) =	vpush v27, $0x0;
	_ =	sdelay $0xe  }
0x262: {  	s17 =	spop (v2sf)  }
0x263: {  	p1 =	slt.s32 s17, s6;
	s17 =	sadd.s32 $0x2, s15  }
0x264: {  	s15 =	smov.u32 @p1 s17  }
0x265: {  	v27 =	vld [tilespmem:s15+$0x0];
	_ =	sdelay $0x4  }
0x266: {  	(v2sf) =	vpush v27, $0x0;
	_ =	sdelay $0xe  }
0x267: {  	p1 =	slt.s32 s16, s5;
	s16 =	spop (v2sf)  }
0x268: {  	s17 =	simm.s32 $0x1;
	p2 =	slt.s32 s16, s6;
	s16 =	simm.s32 $0x10  }
0x269: {  	s17 =	simm.s32 @!p1 $0x0;
	s16 =	simm.s32 @!p2 $0xF  }
0x26a: {  	s14 =	sadd.s32 s17, s14;
	s15 =	sadd.s32 s15, s16  }
0x26b: {  	s14 =	sshrl.u32 s14, $0x4;
	s15 =	sshrl.u32 s15, $0x4  }
0x26c: {  	p1 =	sle.u32 s15, s14  }
.Ltmp2:
0x26d: {  	_ = 	snop;
	(pc) =	sbr.rel @p1 .LBB2_8-.Ltmp2, $2  }
0x26e: {  	_ =	sdelay $0x2  }
0x26f: {  	_ =	strace $0x80000049  }
0x270: {  	s16 =	sshll.u32 s14, $0x6  }
0x271: {  	s16 =	sshra.s32 s16, $0x2  }
0x272: {  	s17 =	ssub.s32 s15, s14;
	s15 =	sor.u32 $0x1, s16  }
0x273: {  	p2 =	sne.s32 s17, $0x1;
	v28 =	vld [tilespmem:s15+$0x0]  }
.Ltmp3:
0x274: {  	v27 =	vld [tilespmem:s15+$0xFFFFFFFF];
	(pc) =	sbr.rel @!p2 .LBB2_3-.Ltmp3, $2  }
0x275: {  	_ =	sdelay $0x2  }
0x276: {  	s14 =	sshll.u32 s14, $0x4;
	p1 =	por $0x0, $0x0;
	s17 =	sadd.s32 $0xFFFFFFFF, s17  }
0x277: {  	vm2 =	vne.s32 v27, v28;
	vm3 =	vge.s32 v27, v22  }
0x278: {  	vm2 =	vmand vm3, vm2;
	vm3 =	vlt.s32 v27, v23  }
0x279: {  	vm2 =	vmand vm3, vm2  }
0x27a: {  	v27 =	vsub.s32 v27, v22;
	_ =	sdelay $0x3  }
0x27b: {  	v28 =	vor.u32 s14, v0  }
0x27c: {  	s16 =	sadd.s32 $0x10, s15;
	[tilespmem:v27+s25+$0x0] =	vst.idx.msk vm2, v28  }
0x27d: {  	p2 =	sne.s32 s17, $0x1;
	v28 =	vld [tilespmem:s16+$0x0]  }
.Ltmp4:
0x27e: {  	v27 =	vld [tilespmem:s16+$0xFFFFFFFF];
	(pc) =	sbr.rel @!p2 .LBB2_5-.Ltmp4, $2  }
0x27f: {  	_ =	sdelay $0x2  }
0x280: {  	s17 =	sadd.s32 $0xFFFFFFFF, s17;
	p1 =	por $0x1, $0x1;
	s15 =	smov.u32 s14  }
.LBB2_6:
0x281: {  	p2 =	sne.s32 s17, $0x1;
	_ =	sdelay $0x3  }
0x282: {  	vm2 =	vne.s32 v27, v28;
	vm3 =	vge.s32 v27, v22  }
0x283: {  	vm2 =	vmand vm3, vm2;
	vm3 =	vlt.s32 v27, v23  }
0x284: {  	vm2 =	vmand vm3, vm2  }
0x285: {  	v27 =	vsub.s32 v27, v22;
	_ =	sdelay $0x2  }
.Ltmp5:
0x286: {  	s15 =	sadd.s32 $0x10, s15;
	(pc) =	sbr.rel @p2 .LBB2_6-.Ltmp5, $4  }
0x287: {  	v28 =	vor.u32 s15, v0  }
0x288: {  	s16 =	sadd.s32 $0x10, s16;
	[tilespmem:v27+s25+$0x0] =	vst.idx.msk vm2, v28  }
0x289: {  	v28 =	vld [tilespmem:s16+$0x0]  }
0x28a: {  	s17 =	sadd.s32 $0xFFFFFFFF, s17;
	v27 =	vld [tilespmem:s16+$0xFFFFFFFF]  }
.Ltmp6:
0x28b: {  	_ = 	snop;
	(pc) =	sbr.rel .LBB2_7-.Ltmp6, $1  }
0x28c: {  	_ =	sdelay $0x3  }
.LBB2_5:
.Ltmp7:
0x28d: {  	(pc) =	sbr.rel .LBB2_7-.Ltmp7, $2  }
0x28e: {  	_ =	sdelay $0x2  }
0x28f: {  	s15 =	smov.u32 s14  }
.LBB2_9:
0x290: {  	_ =	sfence.sel $0x180000  }
0x291: {  	[bflag:$0x0] =	sbarrier.arrive $0xFFFF  }
0x292: {  	_ =	strace $0x90000047  }
0x293: {  	s0 =	stileid.u32;
	[bflag:$0x2] =	sbarrier.arrive $0xFFFF  }
0x294: {  	p0 =	sne.s32 s0, $0x0;
	s0 =	rddreg [dreg:$0x2]  }
0x295: {  	s0 =	sadd.s32 @!p0 $0x100000, s0  }
0x296: {  	[sflag:s0] =	ssyncadd.tile.s32 @!p0 $0x1;
	_ =	shalt  }
.Lfunc_end2:
_tile_overlayer_lowered:
.L_overlay_start_2:
0x297: {  	(tag) =	ssettag $0x2  }
0x298: {  	s0 =	rddreg [dreg:$0x0];
	s2 =	stileid.u32  }
0x299: {  	s1 =	rddreg [dreg:$0x1];
	p0 =	sne.s32 s2, $0x0  }
0x29a: {  	s3 =	rddreg [dreg:$0x2];
	[bflag:$0x3] =	sbarrier.arrive $0xFFFF;
	s2 =	simm.s32 @!p0 $0x1C04  }
0x29b: {  	[timem:s3], [sflag:s2] =	dma.local @!p0 [hbm:s0], s1  }
0x29c: {  	s0 =	simm.s32 @!p0 $0x4  }
0x29d: {  	_ =	swait.ge @!p0 [sflag:s0], s1  }
0x29e: {  	s1 =	ssub.s32 @!p0 $0x0, s1;
	[sflag:s0] =	ssyncset.done @!p0 $0x0  }
0x29f: {  	[sflag:s0] =	ssyncadd.s32 @!p0 s1  }
0x2a0: {  	[bflag:$0x3] =	sbarrier.arrive $0xFFFF  }
0x2a1: {  	_ =	shalt  }

</sc_bundles>
